<compile_context>
chip_gen: v7x
topology: tpu7x:2x2x1
jax: 0.10.2.dev20260603
libtpu: 0.0.44.dev20260713+nightly
codegen_flags: <defaults>
</compile_context>

<pallas_src>
import functools

import jax
import jax.numpy as jnp
from jax import lax
from jax.experimental import pallas as pl
from jax.experimental.pallas import tpu as pltpu
from jax.experimental.pallas import tpu_sc as plsc

N = 5000
NP = 5120
BLK = 128
NB = NP // BLK
CHUNK = 512
NCHUNK = NP // CHUNK
THR = 0.45
F32 = jnp.float32


def _ident():
    r = lax.broadcasted_iota(jnp.int32, (BLK, BLK), 0)
    c = lax.broadcasted_iota(jnp.int32, (BLK, BLK), 1)
    return (r == c).astype(F32)


def _row_to_col(v):
    return jnp.sum(_ident() * v, axis=1, keepdims=True)


def _col_to_row(u):
    return jnp.sum(_ident() * u, axis=0, keepdims=True)


def _rank_kernel(s_ref, rank_ref):
    srow = s_ref[0:1, :]
    cid = lax.broadcasted_iota(jnp.int32, (1, NP), 1)

    def body(bi, _):
        base = bi * BLK
        s_blk = s_ref[0:1, pl.ds(base, BLK)]
        s_col = _row_to_col(s_blk)
        rid = base + lax.broadcasted_iota(jnp.int32, (BLK, 1), 0)
        before = (srow > s_col) | ((srow == s_col) & (cid < rid))
        cnt = jnp.sum(before.astype(jnp.int32), axis=1, keepdims=True)
        rank_ref[pl.ds(base, BLK), :] = cnt
        return 0

    lax.fori_loop(0, NB, body, 0)


def _rank_call(s_row):
    return pl.pallas_call(
        _rank_kernel,
        out_shape=jax.ShapeDtypeStruct((NP, 1), jnp.int32),
    )(s_row)


_NC, _NS = 2, 16
_NW = _NC * _NS
_RPW = NP // _NW
_HALF = _RPW // 2
_D = 128


@functools.cache
def _make_scatter_sc():
    @functools.partial(
        pl.kernel,
        out_type=jax.ShapeDtypeStruct((NP, _D), F32),
        mesh=plsc.VectorSubcoreMesh(core_axis_name="c", subcore_axis_name="s"),
        scratch_types=[
            pltpu.VMEM((2, _HALF), jnp.int32),
            pltpu.VMEM((_RPW, _D), F32),
            pltpu.SemaphoreType.DMA,
        ],
    )
    def _scatter_sc(data_hbm, rank_hbm, out_hbm, idx_v, rows_v, sem):
        wid = lax.axis_index("s") * _NC + lax.axis_index("c")
        base = wid * _RPW
        pltpu.sync_copy(rank_hbm.at[wid], idx_v)
        pltpu.sync_copy(data_hbm.at[pl.ds(base, _RPW)], rows_v)
        for h in range(2):
            pltpu.async_copy(
                rows_v.at[pl.ds(h * _HALF, _HALF)],
                out_hbm.at[idx_v.at[h]],
                sem,
            ).wait()

    return _scatter_sc


def _gather_call_sc(data, rank):
    rank3 = rank[:, 0].reshape(_NW, 2, _HALF)
    return _make_scatter_sc()(data, rank3)


def _iou(x1c, y1c, x2c, y2c, ac, x1r, y1r, x2r, y2r, ar):
    xx1 = jnp.maximum(x1c, x1r)
    yy1 = jnp.maximum(y1c, y1r)
    xx2 = jnp.minimum(x2c, x2r)
    yy2 = jnp.minimum(y2c, y2r)
    w = jnp.maximum(xx2 - xx1, 0.0)
    h = jnp.maximum(yy2 - yy1, 0.0)
    inter = w * h
    return inter / ((ac + ar) - inter)


def _nms_kernel(d_ref, out_ref, x1_ref, y1_ref, x2_ref, y2_ref, a_ref,
                supp_ref):
    def build(j, _):
        base = j * BLK
        blk = d_ref[pl.ds(base, BLK), :]
        x1c, y1c = blk[:, 0:1], blk[:, 1:2]
        x2c, y2c = blk[:, 2:3], blk[:, 3:4]
        x1_ref[0:1, pl.ds(base, BLK)] = _col_to_row(x1c)
        y1_ref[0:1, pl.ds(base, BLK)] = _col_to_row(y1c)
        x2_ref[0:1, pl.ds(base, BLK)] = _col_to_row(x2c)
        y2_ref[0:1, pl.ds(base, BLK)] = _col_to_row(y2c)
        a_ref[0:1, pl.ds(base, BLK)] = _col_to_row((x2c - x1c) * (y2c - y1c))
        supp_ref[0:1, pl.ds(base, BLK)] = jnp.zeros((1, BLK), F32)
        return 0

    lax.fori_loop(0, NB, build, 0)

    lid_r = lax.broadcasted_iota(jnp.int32, (BLK, BLK), 0)
    lid_c = lax.broadcasted_iota(jnp.int32, (BLK, BLK), 1)
    triu = (lid_c > lid_r).astype(F32)
    tril = (lid_c < lid_r).astype(F32)

    def outer(i, _):
        base = i * BLK
        blk = d_ref[pl.ds(base, BLK), :]
        x1c, y1c = blk[:, 0:1], blk[:, 1:2]
        x2c, y2c = blk[:, 2:3], blk[:, 3:4]
        ac = (x2c - x1c) * (y2c - y1c)
        rgid = base + lax.broadcasted_iota(jnp.int32, (BLK, 1), 0)

        x1r = x1_ref[0:1, pl.ds(base, BLK)]
        y1r = y1_ref[0:1, pl.ds(base, BLK)]
        x2r = x2_ref[0:1, pl.ds(base, BLK)]
        y2r = y2_ref[0:1, pl.ds(base, BLK)]
        ar = a_ref[0:1, pl.ds(base, BLK)]
        iou_ii = _iou(x1c, y1c, x2c, y2c, ac, x1r, y1r, x2r, y2r, ar)
        hitf = (iou_ii > THR).astype(F32)
        su = hitf * triu
        sl = hitf * tril
        alive_row = (supp_ref[0:1, pl.ds(base, BLK)] == 0.0).astype(F32)
        alive_col = _row_to_col(alive_row)

        def fp_step(keep_row):
            new_col = alive_col * (
                1.0 - jnp.max(sl * keep_row, axis=1, keepdims=True))
            new_row = alive_row * (
                1.0 - jnp.max(su * new_col, axis=0, keepdims=True))
            return new_row, new_col

        def fp_cond(carry):
            return carry[2]

        def fp_body(carry):
            keep_row, _, _ = carry
            new_row, new_col = fp_step(keep_row)
            return new_row, new_col, jnp.any(new_row != keep_row)

        r1, c1 = fp_step(alive_row)
        keep_row, keep_col, _ = lax.while_loop(
            fp_cond, fp_body, (r1, c1, jnp.any(r1 != alive_row)))
        supp_ref[0:1, pl.ds(base, BLK)] = 1.0 - keep_row
        out_ref[pl.ds(base, BLK), :] = blk[:, 0:16] * keep_col

        kept = keep_col > 0.0
        x1m = jnp.where(kept, x1c, 1.0e9)
        x2m = jnp.where(kept, x2c, -1.0e9)
        acm = ac * keep_col

        ci0 = i // (CHUNK // BLK)
        cs0 = pl.multiple_of(ci0 * CHUNK, CHUNK)

        def tail(cs, masked):
            x1t = x1_ref[0:1, pl.ds(cs, CHUNK)]
            y1t = y1_ref[0:1, pl.ds(cs, CHUNK)]
            x2t = x2_ref[0:1, pl.ds(cs, CHUNK)]
            y2t = y2_ref[0:1, pl.ds(cs, CHUNK)]
            at = a_ref[0:1, pl.ds(cs, CHUNK)]
            iou_t = _iou(x1m, y1c, x2m, y2c, acm, x1t, y1t, x2t, y2t, at)
            if masked:
                cgid = cs + lax.broadcasted_iota(jnp.int32, (1, CHUNK), 1)
                iou_t = jnp.where(cgid > rgid, iou_t, 0.0)
            sup = jnp.max(iou_t, axis=0, keepdims=True)
            supf = (sup > THR).astype(F32)
            old = supp_ref[0:1, pl.ds(cs, CHUNK)]
            supp_ref[0:1, pl.ds(cs, CHUNK)] = jnp.maximum(old, supf)

        tail(cs0, True)

        def chunk_body(ci, _):
            tail(pl.multiple_of(ci * CHUNK, CHUNK), False)
            return 0

        lax.fori_loop(ci0 + 1, NCHUNK, chunk_body, 0)
        return 0

    lax.fori_loop(0, NB, outer, 0)


def _nms_call(sorted_data):
    return pl.pallas_call(
        _nms_kernel,
        out_shape=jax.ShapeDtypeStruct((NP, 16), F32),
        scratch_shapes=[pltpu.VMEM((1, NP), F32)] * 6,
    )(sorted_data)


def kernel(boxes, scores):
    pad = NP - N
    far = -1.0e6
    pad_boxes = jnp.tile(
        jnp.array([[far, far, far + 1.0, far + 1.0]], F32), (pad, 1))
    b = jnp.concatenate([boxes.astype(F32), pad_boxes], axis=0)
    s = jnp.concatenate([scores.astype(F32), jnp.full((pad,), -1.0, F32)])
    data = jnp.concatenate(
        [b, s[:, None], jnp.zeros((NP, _D - 5), F32)], axis=1)
    rank = _rank_call(s[None, :])
    sorted_data = _gather_call_sc(data, rank)
    out16 = _nms_call(sorted_data[:, 0:16])
    return out16[:N, :5]

# --- scband reference (transcript-rebuilt; emitter-appended) ---
"""Pipeline reference for scband-low-light-object-detector-59974923321768 (READ-ONLY COPY).

The authoritative reference and input builder live on the scoring server;
editing this copy changes nothing except your own understanding.
"""

import jax, jax.numpy as jnp
import numpy as np

N = 5000
IOU_THRESHOLD = 0.45


def setup_inputs(seed: int = 0) -> dict:
    key = jax.random.key(seed)
    k1, k2, k3 = jax.random.split(key, 3)
    # boxes drawn with fill=rand, then shaped into valid xyxy boxes in a 512x512 image
    xy = jax.random.uniform(k1, (N, 2), dtype=jnp.float32) * 512.0
    wh = jax.random.uniform(k2, (N, 2), dtype=jnp.float32) * 96.0 + 4.0
    boxes = jnp.concatenate([xy, xy + wh], axis=1)
    scores = jax.random.uniform(k3, (N,), dtype=jnp.float32)
    return {"boxes": boxes, "scores": scores}


def reference(boxes, scores):
    # Faithful JAX translation of LowLightObjectDetector.nms (greedy NMS):
    # sort by score descending, then greedily suppress boxes with IoU > threshold.
    order = jnp.argsort(-scores)
    b = boxes[order]
    s = scores[order]
    x1, y1, x2, y2 = b[:, 0], b[:, 1], b[:, 2], b[:, 3]
    areas = (x2 - x1) * (y2 - y1)
    xx1 = jnp.maximum(x1[:, None], x1[None, :])
    yy1 = jnp.maximum(y1[:, None], y1[None, :])
    xx2 = jnp.minimum(x2[:, None], x2[None, :])
    yy2 = jnp.minimum(y2[:, None], y2[None, :])
    w = jnp.clip(xx2 - xx1, 0.0)
    h = jnp.clip(yy2 - yy1, 0.0)
    inter = w * h
    iou = inter / (areas[:, None] + areas[None, :] - inter)
    idx = jnp.arange(N)

    def body(i, keep):
        # box i (in sorted order) suppresses lower-scoring boxes with IoU > thr,
        # but only if box i itself is still kept
        suppress = keep[i] & (iou[i] > IOU_THRESHOLD) & (idx > i)
        return keep & (~suppress)

    keep = jax.lax.fori_loop(0, N, body, jnp.ones((N,), dtype=bool))
    keep_f = keep.astype(b.dtype)
    # fixed-shape output: surviving boxes/scores (sorted order), suppressed rows zeroed
    out = jnp.concatenate([b * keep_f[:, None], (s * keep_f)[:, None]], axis=1)
    return out

if __name__ == "__main__":
    import jax
    _d = setup_inputs()
    print(jax.jit(kernel)(*tuple(_d.values())))

</pallas_src>

<mosaic_0001>
#map = affine_map<(d0, d1) -> (0, 0)>
#map1 = affine_map<(d0, d1) -> (0, 0, 0)>
module attributes {stable_mosaic.version = 14 : i64} {
  func.func @_scatter_sc(%arg0: i32, %arg1: i32, %arg2: memref<5120x128xf32, #tpu.memory_space<hbm>>, %arg3: memref<32x2x80xi32, #tpu.memory_space<hbm>>, %arg4: memref<5120x128xf32, #tpu.memory_space<hbm>>, %arg5: memref<2x80xi32, #tpu.memory_space<vmem>>, %arg6: memref<160x128xf32, #tpu.memory_space<vmem>>, %arg7: memref<!tpu.dma_semaphore, #tpu.memory_space<semaphore_mem>>) attributes {dimension_semantics = [#tpu.dimension_semantics<core_parallel>, #tpu.dimension_semantics<subcore_parallel>], iteration_bounds = array<i64: 2, 16>, scalar_prefetch = 0 : i64, scratch_operands = 3 : i64, tpu.core_type = #tpu.core_type<sc_vector_subcore>, window_params = [{transform_indices = #map}, {transform_indices = #map1}, {transform_indices = #map}]} {
    %mul3A = arith.constant 2 : i32
    %mul3A_0 = arith.muli %arg1, %mul3A : i32
    %add3A = arith.addi %mul3A_0, %arg0 : i32
    %mul3A_1 = arith.constant 160 : i32
    %mul3A_2 = arith.muli %add3A, %mul3A_1 : i32
    "tpu.region"() ({
      %run_scoped3A = tpu.sem_alloc : memref<!tpu.dma_semaphore, #tpu.memory_space<semaphore_mem>>
      %dma_start3A_41 = arith.constant 0 : i32
      %dma_start3A_42 = arith.constant 0 : i32
      %dma_start3A_43 = tpu.memref_slice %arg3[%add3A, %dma_start3A_41, %dma_start3A_42] : memref<32x2x80xi32, #tpu.memory_space<hbm>> -> memref<1x2x80xi32, #tpu.memory_space<hbm>>
      %dma_start3A_44 = tpu.memref_squeeze %dma_start3A_43 : memref<1x2x80xi32, #tpu.memory_space<hbm>> -> memref<2x80xi32, #tpu.memory_space<hbm>>
      %dma_start3A_45 = arith.constant 0 : i32
      %dma_start3A_46 = arith.constant 0 : i32
      %dma_start3A_47 = tpu.memref_slice %arg3[%add3A, %dma_start3A_45, %dma_start3A_46] : memref<32x2x80xi32, #tpu.memory_space<hbm>> -> memref<1x2x80xi32, #tpu.memory_space<hbm>>
      %dma_start3A_48 = tpu.memref_squeeze %dma_start3A_47 : memref<1x2x80xi32, #tpu.memory_space<hbm>> -> memref<2x80xi32, #tpu.memory_space<hbm>>
      tpu.enqueue_dma source(%dma_start3A_48 : memref<2x80xi32, #tpu.memory_space<hbm>>) target(%arg5 : memref<2x80xi32, #tpu.memory_space<vmem>>) target_semaphore(%run_scoped3A : memref<!tpu.dma_semaphore, #tpu.memory_space<semaphore_mem>>)
      %dma_wait3A_49 = arith.constant 0 : i32
      %dma_wait3A_50 = arith.constant 0 : i32
      %dma_wait3A_51 = tpu.memref_slice %arg3[%add3A, %dma_wait3A_49, %dma_wait3A_50] : memref<32x2x80xi32, #tpu.memory_space<hbm>> -> memref<1x2x80xi32, #tpu.memory_space<hbm>>
      %dma_wait3A_52 = tpu.memref_squeeze %dma_wait3A_51 : memref<1x2x80xi32, #tpu.memory_space<hbm>> -> memref<2x80xi32, #tpu.memory_space<hbm>>
      %dma_wait3A_53 = arith.constant 0 : i32
      %dma_wait3A_54 = arith.constant 0 : i32
      %dma_wait3A_55 = tpu.memref_slice %arg3[%add3A, %dma_wait3A_53, %dma_wait3A_54] : memref<32x2x80xi32, #tpu.memory_space<hbm>> -> memref<1x2x80xi32, #tpu.memory_space<hbm>>
      %dma_wait3A_56 = tpu.memref_squeeze %dma_wait3A_55 : memref<1x2x80xi32, #tpu.memory_space<hbm>> -> memref<2x80xi32, #tpu.memory_space<hbm>>
      tpu.wait_dma2 semaphore(%run_scoped3A : memref<!tpu.dma_semaphore, #tpu.memory_space<semaphore_mem>>) src(%dma_wait3A_56 : memref<2x80xi32, #tpu.memory_space<hbm>>) dst(%arg5 : memref<2x80xi32, #tpu.memory_space<vmem>>)
      tpu.yield
    }) : () -> ()
    "tpu.region"() ({
      %run_scoped3A = tpu.sem_alloc : memref<!tpu.dma_semaphore, #tpu.memory_space<semaphore_mem>>
      %dma_start3A_41 = arith.constant 0 : i32
      %dma_start3A_42 = tpu.memref_slice %arg2[%mul3A_2, %dma_start3A_41] : memref<5120x128xf32, #tpu.memory_space<hbm>> -> memref<160x128xf32, #tpu.memory_space<hbm>>
      %dma_start3A_43 = arith.constant 0 : i32
      %dma_start3A_44 = tpu.memref_slice %arg2[%mul3A_2, %dma_start3A_43] : memref<5120x128xf32, #tpu.memory_space<hbm>> -> memref<160x128xf32, #tpu.memory_space<hbm>>
      tpu.enqueue_dma source(%dma_start3A_44 : memref<160x128xf32, #tpu.memory_space<hbm>>) target(%arg6 : memref<160x128xf32, #tpu.memory_space<vmem>>) target_semaphore(%run_scoped3A : memref<!tpu.dma_semaphore, #tpu.memory_space<semaphore_mem>>)
      %dma_wait3A_45 = arith.constant 0 : i32
      %dma_wait3A_46 = tpu.memref_slice %arg2[%mul3A_2, %dma_wait3A_45] : memref<5120x128xf32, #tpu.memory_space<hbm>> -> memref<160x128xf32, #tpu.memory_space<hbm>>
      %dma_wait3A_47 = arith.constant 0 : i32
      %dma_wait3A_48 = tpu.memref_slice %arg2[%mul3A_2, %dma_wait3A_47] : memref<5120x128xf32, #tpu.memory_space<hbm>> -> memref<160x128xf32, #tpu.memory_space<hbm>>
      tpu.wait_dma2 semaphore(%run_scoped3A : memref<!tpu.dma_semaphore, #tpu.memory_space<semaphore_mem>>) src(%dma_wait3A_48 : memref<160x128xf32, #tpu.memory_space<hbm>>) dst(%arg6 : memref<160x128xf32, #tpu.memory_space<vmem>>)
      tpu.yield
    }) : () -> ()
    %dma_start3A = arith.constant 0 : i32
    %dma_start3A_3 = arith.constant 0 : i32
    %dma_start3A_4 = arith.constant 0 : i32
    %dma_start3A_5 = tpu.memref_slice %arg6[%dma_start3A_3, %dma_start3A_4] : memref<160x128xf32, #tpu.memory_space<vmem>> -> memref<80x128xf32, #tpu.memory_space<vmem>>
    %dma_start3A_6 = arith.constant 0 : i32
    %dma_start3A_7 = tpu.memref_slice %arg5[%dma_start3A, %dma_start3A_6] : memref<2x80xi32, #tpu.memory_space<vmem>> -> memref<1x80xi32, #tpu.memory_space<vmem>>
    %dma_start3A_8 = tpu.memref_squeeze %dma_start3A_7 : memref<1x80xi32, #tpu.memory_space<vmem>> -> memref<80xi32, #tpu.memory_space<vmem>>
    %dma_start3A_9 = arith.constant 0 : i32
    %dma_start3A_10 = arith.constant 0 : i32
    %dma_start3A_11 = tpu.memref_slice %arg4[%dma_start3A_9, %dma_start3A_10] : memref<5120x128xf32, #tpu.memory_space<hbm>> -> memref<5120x128xf32, #tpu.memory_space<hbm>>
    tpu.enqueue_indirect_dma source(%dma_start3A_5 : memref<80x128xf32, #tpu.memory_space<vmem>>) target(%dma_start3A_11 : memref<5120x128xf32, #tpu.memory_space<hbm>>) offsets(%dma_start3A_8 : memref<80xi32, #tpu.memory_space<vmem>>) semaphore(%arg7 : memref<!tpu.dma_semaphore, #tpu.memory_space<semaphore_mem>>)
    %dma_wait3A = arith.constant 0 : i32
    %dma_wait3A_12 = arith.constant 0 : i32
    %dma_wait3A_13 = arith.constant 0 : i32
    %dma_wait3A_14 = tpu.memref_slice %arg6[%dma_wait3A_12, %dma_wait3A_13] : memref<160x128xf32, #tpu.memory_space<vmem>> -> memref<80x128xf32, #tpu.memory_space<vmem>>
    %dma_wait3A_15 = arith.constant 0 : i32
    %dma_wait3A_16 = tpu.memref_slice %arg5[%dma_wait3A, %dma_wait3A_15] : memref<2x80xi32, #tpu.memory_space<vmem>> -> memref<1x80xi32, #tpu.memory_space<vmem>>
    %dma_wait3A_17 = tpu.memref_squeeze %dma_wait3A_16 : memref<1x80xi32, #tpu.memory_space<vmem>> -> memref<80xi32, #tpu.memory_space<vmem>>
    %dma_wait3A_18 = arith.constant 0 : i32
    %dma_wait3A_19 = arith.constant 0 : i32
    %dma_wait3A_20 = tpu.memref_slice %arg4[%dma_wait3A_18, %dma_wait3A_19] : memref<5120x128xf32, #tpu.memory_space<hbm>> -> memref<5120x128xf32, #tpu.memory_space<hbm>>
    tpu.wait_indirect_dma semaphore(%arg7 : memref<!tpu.dma_semaphore, #tpu.memory_space<semaphore_mem>>) src(%dma_wait3A_14 : memref<80x128xf32, #tpu.memory_space<vmem>>) dst(%dma_wait3A_20 : memref<5120x128xf32, #tpu.memory_space<hbm>>)
    %dma_start3A_21 = arith.constant 1 : i32
    %dma_start3A_22 = arith.constant 80 : i32
    %dma_start3A_23 = arith.constant 0 : i32
    %dma_start3A_24 = tpu.memref_slice %arg6[%dma_start3A_22, %dma_start3A_23] : memref<160x128xf32, #tpu.memory_space<vmem>> -> memref<80x128xf32, #tpu.memory_space<vmem>>
    %dma_start3A_25 = arith.constant 0 : i32
    %dma_start3A_26 = tpu.memref_slice %arg5[%dma_start3A_21, %dma_start3A_25] : memref<2x80xi32, #tpu.memory_space<vmem>> -> memref<1x80xi32, #tpu.memory_space<vmem>>
    %dma_start3A_27 = tpu.memref_squeeze %dma_start3A_26 : memref<1x80xi32, #tpu.memory_space<vmem>> -> memref<80xi32, #tpu.memory_space<vmem>>
    %dma_start3A_28 = arith.constant 0 : i32
    %dma_start3A_29 = arith.constant 0 : i32
    %dma_start3A_30 = tpu.memref_slice %arg4[%dma_start3A_28, %dma_start3A_29] : memref<5120x128xf32, #tpu.memory_space<hbm>> -> memref<5120x128xf32, #tpu.memory_space<hbm>>
    tpu.enqueue_indirect_dma source(%dma_start3A_24 : memref<80x128xf32, #tpu.memory_space<vmem>>) target(%dma_start3A_30 : memref<5120x128xf32, #tpu.memory_space<hbm>>) offsets(%dma_start3A_27 : memref<80xi32, #tpu.memory_space<vmem>>) semaphore(%arg7 : memref<!tpu.dma_semaphore, #tpu.memory_space<semaphore_mem>>)
    %dma_wait3A_31 = arith.constant 1 : i32
    %dma_wait3A_32 = arith.constant 80 : i32
    %dma_wait3A_33 = arith.constant 0 : i32
    %dma_wait3A_34 = tpu.memref_slice %arg6[%dma_wait3A_32, %dma_wait3A_33] : memref<160x128xf32, #tpu.memory_space<vmem>> -> memref<80x128xf32, #tpu.memory_space<vmem>>
    %dma_wait3A_35 = arith.constant 0 : i32
    %dma_wait3A_36 = tpu.memref_slice %arg5[%dma_wait3A_31, %dma_wait3A_35] : memref<2x80xi32, #tpu.memory_space<vmem>> -> memref<1x80xi32, #tpu.memory_space<vmem>>
    %dma_wait3A_37 = tpu.memref_squeeze %dma_wait3A_36 : memref<1x80xi32, #tpu.memory_space<vmem>> -> memref<80xi32, #tpu.memory_space<vmem>>
    %dma_wait3A_38 = arith.constant 0 : i32
    %dma_wait3A_39 = arith.constant 0 : i32
    %dma_wait3A_40 = tpu.memref_slice %arg4[%dma_wait3A_38, %dma_wait3A_39] : memref<5120x128xf32, #tpu.memory_space<hbm>> -> memref<5120x128xf32, #tpu.memory_space<hbm>>
    tpu.wait_indirect_dma semaphore(%arg7 : memref<!tpu.dma_semaphore, #tpu.memory_space<semaphore_mem>>) src(%dma_wait3A_34 : memref<80x128xf32, #tpu.memory_space<vmem>>) dst(%dma_wait3A_40 : memref<5120x128xf32, #tpu.memory_space<hbm>>)
    return
  }
}

module attributes {stable_mosaic.version = 14 : i64} {
  func.func @_rank_kernel(%arg0: memref<1x5120xf32, #tpu.memory_space<vmem>>, %arg1: memref<5120x1xi32, #tpu.memory_space<vmem>>) attributes {dimension_semantics = [], scalar_prefetch = 0 : i64, scratch_operands = 0 : i64, tpu.core_type = #tpu.core_type<tc>} {
    %get3A = arith.constant 0 : index
    %get3A_0 = arith.constant 0 : index
    %get3A_1 = vector.load %arg0[%get3A, %get3A_0] : memref<1x5120xf32, #tpu.memory_space<vmem>>, vector<1x5120xf32>
    %iota3A = tpu.iota {dimensions = array<i32: 1>} : vector<1x5120xi32>
    %scan3A = arith.constant 0 : i32
    %scan3A_2 = arith.constant 40 : i32
    %scan3A_3 = arith.addi %scan3A, %scan3A_2 : i32
    %scan3A_4 = arith.constant 1 : i32
    scf.for %scan3A_6 = %scan3A to %scan3A_3 step %scan3A_4  : i32 {
      %mul3A = arith.constant 128 : i32
      %mul3A_7 = arith.muli %scan3A_6, %mul3A : i32
      %get3A_8 = arith.constant 0 : index
      %get3A_9 = arith.index_cast %mul3A_7 : i32 to index
      %get3A_10 = vector.load %arg0[%get3A_8, %get3A_9] : memref<1x5120xf32, #tpu.memory_space<vmem>>, vector<1x128xf32>
      %iota3A_11 = tpu.iota {dimensions = array<i32: 0>} : vector<128x128xi32>
      %iota3A_12 = tpu.iota {dimensions = array<i32: 1>} : vector<128x128xi32>
      %eq3A = arith.cmpi eq, %iota3A_11, %iota3A_12 : vector<128x128xi32>
      %convert_element_type3A = arith.extui %eq3A : vector<128x128xi1> to vector<128x128xi32>
      %convert_element_type3A_13 = arith.sitofp %convert_element_type3A : vector<128x128xi32> to vector<128x128xf32>
      %mul3A_14 = vector.broadcast %get3A_10 : vector<1x128xf32> to vector<128x128xf32>
      %mul3A_15 = arith.mulf %convert_element_type3A_13, %mul3A_14 : vector<128x128xf32>
      %reduce_sum3A = arith.constant dense<0.000000e+00> : vector<128xf32>
      %reduce_sum3A_16 = vector.multi_reduction <add>, %mul3A_15, %reduce_sum3A [1] : vector<128x128xf32> to vector<128xf32>
      %broadcast_in_dim3A = vector.shape_cast %reduce_sum3A_16 : vector<128xf32> to vector<128x1xf32>
      %iota3A_17 = tpu.iota {dimensions = array<i32: 0>} : vector<128x1xi32>
      %add3A = vector.broadcast %mul3A_7 : i32 to vector<128x1xi32>
      %add3A_18 = arith.addi %add3A, %iota3A_17 : vector<128x1xi32>
      %gt3A = vector.broadcast %get3A_1 : vector<1x5120xf32> to vector<128x5120xf32>
      %gt3A_19 = vector.broadcast %broadcast_in_dim3A : vector<128x1xf32> to vector<128x5120xf32>
      %gt3A_20 = arith.cmpf ogt, %gt3A, %gt3A_19 : vector<128x5120xf32>
      %eq3A_21 = vector.broadcast %get3A_1 : vector<1x5120xf32> to vector<128x5120xf32>
      %eq3A_22 = vector.broadcast %broadcast_in_dim3A : vector<128x1xf32> to vector<128x5120xf32>
      %eq3A_23 = arith.cmpf oeq, %eq3A_21, %eq3A_22 : vector<128x5120xf32>
      %lt3A = vector.broadcast %iota3A : vector<1x5120xi32> to vector<128x5120xi32>
      %lt3A_24 = vector.broadcast %add3A_18 : vector<128x1xi32> to vector<128x5120xi32>
      %lt3A_25 = arith.cmpi slt, %lt3A, %lt3A_24 : vector<128x5120xi32>
      %and3A = arith.andi %eq3A_23, %lt3A_25 : vector<128x5120xi1>
      %or3A = arith.ori %gt3A_20, %and3A : vector<128x5120xi1>
      %convert_element_type3A_26 = arith.extui %or3A : vector<128x5120xi1> to vector<128x5120xi32>
      %reduce_sum3A_27 = arith.constant dense<0> : vector<128xi32>
      %reduce_sum3A_28 = vector.multi_reduction <add>, %convert_element_type3A_26, %reduce_sum3A_27 [1] : vector<128x5120xi32> to vector<128xi32>
      %broadcast_in_dim3A_29 = vector.shape_cast %reduce_sum3A_28 : vector<128xi32> to vector<128x1xi32>
      %swap3A = arith.index_cast %mul3A_7 : i32 to index
      %swap3A_30 = arith.constant 0 : index
      %swap3A_31 = vector.load %arg1[%swap3A, %swap3A_30] : memref<5120x1xi32, #tpu.memory_space<vmem>>, vector<128x1xi32>
      tpu.vector_store %arg1[%swap3A, %swap3A_30], %broadcast_in_dim3A_29 {strides = array<i32>} : memref<5120x1xi32, #tpu.memory_space<vmem>>, vector<128x1xi32>,
    }
    %scan3A_5 = arith.constant 40 : i32
    return
  }
}

module attributes {stable_mosaic.version = 14 : i64} {
  func.func @_nms_kernel(%arg0: memref<5120x16xf32, #tpu.memory_space<vmem>>, %arg1: memref<5120x16xf32, #tpu.memory_space<vmem>>, %arg2: memref<1x5120xf32, #tpu.memory_space<vmem>>, %arg3: memref<1x5120xf32, #tpu.memory_space<vmem>>, %arg4: memref<1x5120xf32, #tpu.memory_space<vmem>>, %arg5: memref<1x5120xf32, #tpu.memory_space<vmem>>, %arg6: memref<1x5120xf32, #tpu.memory_space<vmem>>, %arg7: memref<1x5120xf32, #tpu.memory_space<vmem>>) attributes {dimension_semantics = [], scalar_prefetch = 0 : i64, scratch_operands = 6 : i64, tpu.core_type = #tpu.core_type<tc>} {
    %scan3A = arith.constant 0 : i32
    %scan3A_0 = arith.constant 40 : i32
    %scan3A_1 = arith.addi %scan3A, %scan3A_0 : i32
    %scan3A_2 = arith.constant 1 : i32
    scf.for %scan3A_13 = %scan3A to %scan3A_1 step %scan3A_2  : i32 {
      %mul3A = arith.constant 128 : i32
      %mul3A_14 = arith.muli %scan3A_13, %mul3A : i32
      %get3A = arith.index_cast %mul3A_14 : i32 to index
      %get3A_15 = arith.constant 0 : index
      %get3A_16 = vector.load %arg0[%get3A, %get3A_15] : memref<5120x16xf32, #tpu.memory_space<vmem>>, vector<128x16xf32>
      %slice3A = vector.extract_strided_slice %get3A_16 {offsets = [0, 0], sizes = [128, 1], strides = [1, 1]} : vector<128x16xf32> to vector<128x1xf32>
      %slice3A_17 = vector.extract_strided_slice %get3A_16 {offsets = [0, 1], sizes = [128, 1], strides = [1, 1]} : vector<128x16xf32> to vector<128x1xf32>
      %slice3A_18 = vector.extract_strided_slice %get3A_16 {offsets = [0, 2], sizes = [128, 1], strides = [1, 1]} : vector<128x16xf32> to vector<128x1xf32>
      %slice3A_19 = vector.extract_strided_slice %get3A_16 {offsets = [0, 3], sizes = [128, 1], strides = [1, 1]} : vector<128x16xf32> to vector<128x1xf32>
      %iota3A_20 = tpu.iota {dimensions = array<i32: 0>} : vector<128x128xi32>
      %iota3A_21 = tpu.iota {dimensions = array<i32: 1>} : vector<128x128xi32>
      %eq3A = arith.cmpi eq, %iota3A_20, %iota3A_21 : vector<128x128xi32>
      %convert_element_type3A_22 = arith.extui %eq3A : vector<128x128xi1> to vector<128x128xi32>
      %convert_element_type3A_23 = arith.sitofp %convert_element_type3A_22 : vector<128x128xi32> to vector<128x128xf32>
      %mul3A_24 = vector.broadcast %slice3A : vector<128x1xf32> to vector<128x128xf32>
      %mul3A_25 = arith.mulf %convert_element_type3A_23, %mul3A_24 : vector<128x128xf32>
      %reduce_sum3A = arith.constant dense<0.000000e+00> : vector<128xf32>
      %reduce_sum3A_26 = vector.multi_reduction <add>, %mul3A_25, %reduce_sum3A [0] : vector<128x128xf32> to vector<128xf32>
      %broadcast_in_dim3A = vector.shape_cast %reduce_sum3A_26 : vector<128xf32> to vector<1x128xf32>
      %swap3A = arith.constant 0 : index
      %swap3A_27 = arith.index_cast %mul3A_14 : i32 to index
      %swap3A_28 = vector.load %arg2[%swap3A, %swap3A_27] : memref<1x5120xf32, #tpu.memory_space<vmem>>, vector<1x128xf32>
      tpu.vector_store %arg2[%swap3A, %swap3A_27], %broadcast_in_dim3A {strides = array<i32>} : memref<1x5120xf32, #tpu.memory_space<vmem>>, vector<1x128xf32>,
      %iota3A_29 = tpu.iota {dimensions = array<i32: 0>} : vector<128x128xi32>
      %iota3A_30 = tpu.iota {dimensions = array<i32: 1>} : vector<128x128xi32>
      %eq3A_31 = arith.cmpi eq, %iota3A_29, %iota3A_30 : vector<128x128xi32>
      %convert_element_type3A_32 = arith.extui %eq3A_31 : vector<128x128xi1> to vector<128x128xi32>
      %convert_element_type3A_33 = arith.sitofp %convert_element_type3A_32 : vector<128x128xi32> to vector<128x128xf32>
      %mul3A_34 = vector.broadcast %slice3A_17 : vector<128x1xf32> to vector<128x128xf32>
      %mul3A_35 = arith.mulf %convert_element_type3A_33, %mul3A_34 : vector<128x128xf32>
      %reduce_sum3A_36 = arith.constant dense<0.000000e+00> : vector<128xf32>
      %reduce_sum3A_37 = vector.multi_reduction <add>, %mul3A_35, %reduce_sum3A_36 [0] : vector<128x128xf32> to vector<128xf32>
      %broadcast_in_dim3A_38 = vector.shape_cast %reduce_sum3A_37 : vector<128xf32> to vector<1x128xf32>
      %swap3A_39 = arith.constant 0 : index
      %swap3A_40 = arith.index_cast %mul3A_14 : i32 to index
      %swap3A_41 = vector.load %arg3[%swap3A_39, %swap3A_40] : memref<1x5120xf32, #tpu.memory_space<vmem>>, vector<1x128xf32>
      tpu.vector_store %arg3[%swap3A_39, %swap3A_40], %broadcast_in_dim3A_38 {strides = array<i32>} : memref<1x5120xf32, #tpu.memory_space<vmem>>, vector<1x128xf32>,
      %iota3A_42 = tpu.iota {dimensions = array<i32: 0>} : vector<128x128xi32>
      %iota3A_43 = tpu.iota {dimensions = array<i32: 1>} : vector<128x128xi32>
      %eq3A_44 = arith.cmpi eq, %iota3A_42, %iota3A_43 : vector<128x128xi32>
      %convert_element_type3A_45 = arith.extui %eq3A_44 : vector<128x128xi1> to vector<128x128xi32>
      %convert_element_type3A_46 = arith.sitofp %convert_element_type3A_45 : vector<128x128xi32> to vector<128x128xf32>
      %mul3A_47 = vector.broadcast %slice3A_18 : vector<128x1xf32> to vector<128x128xf32>
      %mul3A_48 = arith.mulf %convert_element_type3A_46, %mul3A_47 : vector<128x128xf32>
      %reduce_sum3A_49 = arith.constant dense<0.000000e+00> : vector<128xf32>
      %reduce_sum3A_50 = vector.multi_reduction <add>, %mul3A_48, %reduce_sum3A_49 [0] : vector<128x128xf32> to vector<128xf32>
      %broadcast_in_dim3A_51 = vector.shape_cast %reduce_sum3A_50 : vector<128xf32> to vector<1x128xf32>
      %swap3A_52 = arith.constant 0 : index
      %swap3A_53 = arith.index_cast %mul3A_14 : i32 to index
      %swap3A_54 = vector.load %arg4[%swap3A_52, %swap3A_53] : memref<1x5120xf32, #tpu.memory_space<vmem>>, vector<1x128xf32>
      tpu.vector_store %arg4[%swap3A_52, %swap3A_53], %broadcast_in_dim3A_51 {strides = array<i32>} : memref<1x5120xf32, #tpu.memory_space<vmem>>, vector<1x128xf32>,
      %iota3A_55 = tpu.iota {dimensions = array<i32: 0>} : vector<128x128xi32>
      %iota3A_56 = tpu.iota {dimensions = array<i32: 1>} : vector<128x128xi32>
      %eq3A_57 = arith.cmpi eq, %iota3A_55, %iota3A_56 : vector<128x128xi32>
      %convert_element_type3A_58 = arith.extui %eq3A_57 : vector<128x128xi1> to vector<128x128xi32>
      %convert_element_type3A_59 = arith.sitofp %convert_element_type3A_58 : vector<128x128xi32> to vector<128x128xf32>
      %mul3A_60 = vector.broadcast %slice3A_19 : vector<128x1xf32> to vector<128x128xf32>
      %mul3A_61 = arith.mulf %convert_element_type3A_59, %mul3A_60 : vector<128x128xf32>
      %reduce_sum3A_62 = arith.constant dense<0.000000e+00> : vector<128xf32>
      %reduce_sum3A_63 = vector.multi_reduction <add>, %mul3A_61, %reduce_sum3A_62 [0] : vector<128x128xf32> to vector<128xf32>
      %broadcast_in_dim3A_64 = vector.shape_cast %reduce_sum3A_63 : vector<128xf32> to vector<1x128xf32>
      %swap3A_65 = arith.constant 0 : index
      %swap3A_66 = arith.index_cast %mul3A_14 : i32 to index
      %swap3A_67 = vector.load %arg5[%swap3A_65, %swap3A_66] : memref<1x5120xf32, #tpu.memory_space<vmem>>, vector<1x128xf32>
      tpu.vector_store %arg5[%swap3A_65, %swap3A_66], %broadcast_in_dim3A_64 {strides = array<i32>} : memref<1x5120xf32, #tpu.memory_space<vmem>>, vector<1x128xf32>,
      %sub3A = arith.subf %slice3A_18, %slice3A : vector<128x1xf32>
      %sub3A_68 = arith.subf %slice3A_19, %slice3A_17 : vector<128x1xf32>
      %mul3A_69 = arith.mulf %sub3A, %sub3A_68 : vector<128x1xf32>
      %iota3A_70 = tpu.iota {dimensions = array<i32: 0>} : vector<128x128xi32>
      %iota3A_71 = tpu.iota {dimensions = array<i32: 1>} : vector<128x128xi32>
      %eq3A_72 = arith.cmpi eq, %iota3A_70, %iota3A_71 : vector<128x128xi32>
      %convert_element_type3A_73 = arith.extui %eq3A_72 : vector<128x128xi1> to vector<128x128xi32>
      %convert_element_type3A_74 = arith.sitofp %convert_element_type3A_73 : vector<128x128xi32> to vector<128x128xf32>
      %mul3A_75 = vector.broadcast %mul3A_69 : vector<128x1xf32> to vector<128x128xf32>
      %mul3A_76 = arith.mulf %convert_element_type3A_74, %mul3A_75 : vector<128x128xf32>
      %reduce_sum3A_77 = arith.constant dense<0.000000e+00> : vector<128xf32>
      %reduce_sum3A_78 = vector.multi_reduction <add>, %mul3A_76, %reduce_sum3A_77 [0] : vector<128x128xf32> to vector<128xf32>
      %broadcast_in_dim3A_79 = vector.shape_cast %reduce_sum3A_78 : vector<128xf32> to vector<1x128xf32>
      %swap3A_80 = arith.constant 0 : index
      %swap3A_81 = arith.index_cast %mul3A_14 : i32 to index
      %swap3A_82 = vector.load %arg6[%swap3A_80, %swap3A_81] : memref<1x5120xf32, #tpu.memory_space<vmem>>, vector<1x128xf32>
      tpu.vector_store %arg6[%swap3A_80, %swap3A_81], %broadcast_in_dim3A_79 {strides = array<i32>} : memref<1x5120xf32, #tpu.memory_space<vmem>>, vector<1x128xf32>,
      %broadcast_in_dim3A_83 = arith.constant 0.000000e+00 : f32
      %broadcast_in_dim3A_84 = vector.broadcast %broadcast_in_dim3A_83 : f32 to vector<1x128xf32>
      %swap3A_85 = arith.constant 0 : index
      %swap3A_86 = arith.index_cast %mul3A_14 : i32 to index
      %swap3A_87 = vector.load %arg7[%swap3A_85, %swap3A_86] : memref<1x5120xf32, #tpu.memory_space<vmem>>, vector<1x128xf32>
      tpu.vector_store %arg7[%swap3A_85, %swap3A_86], %broadcast_in_dim3A_84 {strides = array<i32>} : memref<1x5120xf32, #tpu.memory_space<vmem>>, vector<1x128xf32>,
    }
    %scan3A_3 = arith.constant 40 : i32
    %iota3A = tpu.iota {dimensions = array<i32: 0>} : vector<128x128xi32>
    %iota3A_4 = tpu.iota {dimensions = array<i32: 1>} : vector<128x128xi32>
    %gt3A = arith.cmpi sgt, %iota3A_4, %iota3A : vector<128x128xi32>
    %convert_element_type3A = arith.extui %gt3A : vector<128x128xi1> to vector<128x128xi32>
    %convert_element_type3A_5 = arith.sitofp %convert_element_type3A : vector<128x128xi32> to vector<128x128xf32>
    %lt3A = arith.cmpi slt, %iota3A_4, %iota3A : vector<128x128xi32>
    %convert_element_type3A_6 = arith.extui %lt3A : vector<128x128xi1> to vector<128x128xi32>
    %convert_element_type3A_7 = arith.sitofp %convert_element_type3A_6 : vector<128x128xi32> to vector<128x128xf32>
    %scan3A_8 = arith.constant 0 : i32
    %scan3A_9 = arith.constant 40 : i32
    %scan3A_10 = arith.addi %scan3A_8, %scan3A_9 : i32
    %scan3A_11 = arith.constant 1 : i32
    scf.for %scan3A_13 = %scan3A_8 to %scan3A_10 step %scan3A_11  : i32 {
      %mul3A = arith.constant 128 : i32
      %mul3A_14 = arith.muli %scan3A_13, %mul3A : i32
      %get3A = arith.index_cast %mul3A_14 : i32 to index
      %get3A_15 = arith.constant 0 : index
      %get3A_16 = vector.load %arg0[%get3A, %get3A_15] : memref<5120x16xf32, #tpu.memory_space<vmem>>, vector<128x16xf32>
      %slice3A = vector.extract_strided_slice %get3A_16 {offsets = [0, 0], sizes = [128, 1], strides = [1, 1]} : vector<128x16xf32> to vector<128x1xf32>
      %slice3A_17 = vector.extract_strided_slice %get3A_16 {offsets = [0, 1], sizes = [128, 1], strides = [1, 1]} : vector<128x16xf32> to vector<128x1xf32>
      %slice3A_18 = vector.extract_strided_slice %get3A_16 {offsets = [0, 2], sizes = [128, 1], strides = [1, 1]} : vector<128x16xf32> to vector<128x1xf32>
      %slice3A_19 = vector.extract_strided_slice %get3A_16 {offsets = [0, 3], sizes = [128, 1], strides = [1, 1]} : vector<128x16xf32> to vector<128x1xf32>
      %sub3A = arith.subf %slice3A_18, %slice3A : vector<128x1xf32>
      %sub3A_20 = arith.subf %slice3A_19, %slice3A_17 : vector<128x1xf32>
      %mul3A_21 = arith.mulf %sub3A, %sub3A_20 : vector<128x1xf32>
      %iota3A_22 = tpu.iota {dimensions = array<i32: 0>} : vector<128x1xi32>
      %add3A = vector.broadcast %mul3A_14 : i32 to vector<128x1xi32>
      %add3A_23 = arith.addi %add3A, %iota3A_22 : vector<128x1xi32>
      %get3A_24 = arith.constant 0 : index
      %get3A_25 = arith.index_cast %mul3A_14 : i32 to index
      %get3A_26 = vector.load %arg2[%get3A_24, %get3A_25] : memref<1x5120xf32, #tpu.memory_space<vmem>>, vector<1x128xf32>
      %get3A_27 = arith.constant 0 : index
      %get3A_28 = arith.index_cast %mul3A_14 : i32 to index
      %get3A_29 = vector.load %arg3[%get3A_27, %get3A_28] : memref<1x5120xf32, #tpu.memory_space<vmem>>, vector<1x128xf32>
      %get3A_30 = arith.constant 0 : index
      %get3A_31 = arith.index_cast %mul3A_14 : i32 to index
      %get3A_32 = vector.load %arg4[%get3A_30, %get3A_31] : memref<1x5120xf32, #tpu.memory_space<vmem>>, vector<1x128xf32>
      %get3A_33 = arith.constant 0 : index
      %get3A_34 = arith.index_cast %mul3A_14 : i32 to index
      %get3A_35 = vector.load %arg5[%get3A_33, %get3A_34] : memref<1x5120xf32, #tpu.memory_space<vmem>>, vector<1x128xf32>
      %get3A_36 = arith.constant 0 : index
      %get3A_37 = arith.index_cast %mul3A_14 : i32 to index
      %get3A_38 = vector.load %arg6[%get3A_36, %get3A_37] : memref<1x5120xf32, #tpu.memory_space<vmem>>, vector<1x128xf32>
      %max3A = vector.broadcast %slice3A : vector<128x1xf32> to vector<128x128xf32>
      %max3A_39 = vector.broadcast %get3A_26 : vector<1x128xf32> to vector<128x128xf32>
      %max3A_40 = arith.maximumf %max3A, %max3A_39 : vector<128x128xf32>
      %max3A_41 = vector.broadcast %slice3A_17 : vector<128x1xf32> to vector<128x128xf32>
      %max3A_42 = vector.broadcast %get3A_29 : vector<1x128xf32> to vector<128x128xf32>
      %max3A_43 = arith.maximumf %max3A_41, %max3A_42 : vector<128x128xf32>
      %min3A = vector.broadcast %slice3A_18 : vector<128x1xf32> to vector<128x128xf32>
      %min3A_44 = vector.broadcast %get3A_32 : vector<1x128xf32> to vector<128x128xf32>
      %min3A_45 = arith.minimumf %min3A, %min3A_44 : vector<128x128xf32>
      %min3A_46 = vector.broadcast %slice3A_19 : vector<128x1xf32> to vector<128x128xf32>
      %min3A_47 = vector.broadcast %get3A_35 : vector<1x128xf32> to vector<128x128xf32>
      %min3A_48 = arith.minimumf %min3A_46, %min3A_47 : vector<128x128xf32>
      %sub3A_49 = arith.subf %min3A_45, %max3A_40 : vector<128x128xf32>
      %max3A_50 = arith.constant 0.000000e+00 : f32
      %max3A_51 = vector.broadcast %max3A_50 : f32 to vector<128x128xf32>
      %max3A_52 = arith.maximumf %sub3A_49, %max3A_51 : vector<128x128xf32>
      %sub3A_53 = arith.subf %min3A_48, %max3A_43 : vector<128x128xf32>
      %max3A_54 = arith.constant 0.000000e+00 : f32
      %max3A_55 = vector.broadcast %max3A_54 : f32 to vector<128x128xf32>
      %max3A_56 = arith.maximumf %sub3A_53, %max3A_55 : vector<128x128xf32>
      %mul3A_57 = arith.mulf %max3A_52, %max3A_56 : vector<128x128xf32>
      %add3A_58 = vector.broadcast %mul3A_21 : vector<128x1xf32> to vector<128x128xf32>
      %add3A_59 = vector.broadcast %get3A_38 : vector<1x128xf32> to vector<128x128xf32>
      %add3A_60 = arith.addf %add3A_58, %add3A_59 : vector<128x128xf32>
      %sub3A_61 = arith.subf %add3A_60, %mul3A_57 : vector<128x128xf32>
      %div3A = arith.divf %mul3A_57, %sub3A_61 : vector<128x128xf32>
      %gt3A_62 = arith.constant 4.500000e-01 : f32
      %gt3A_63 = vector.broadcast %gt3A_62 : f32 to vector<128x128xf32>
      %gt3A_64 = arith.cmpf ogt, %div3A, %gt3A_63 : vector<128x128xf32>
      %convert_element_type3A_65 = arith.extui %gt3A_64 : vector<128x128xi1> to vector<128x128xi32>
      %convert_element_type3A_66 = arith.sitofp %convert_element_type3A_65 : vector<128x128xi32> to vector<128x128xf32>
      %mul3A_67 = arith.mulf %convert_element_type3A_66, %convert_element_type3A_5 : vector<128x128xf32>
      %mul3A_68 = arith.mulf %convert_element_type3A_66, %convert_element_type3A_7 : vector<128x128xf32>
      %get3A_69 = arith.constant 0 : index
      %get3A_70 = arith.index_cast %mul3A_14 : i32 to index
      %get3A_71 = vector.load %arg7[%get3A_69, %get3A_70] : memref<1x5120xf32, #tpu.memory_space<vmem>>, vector<1x128xf32>
      %eq3A = arith.constant 0.000000e+00 : f32
      %eq3A_72 = vector.broadcast %eq3A : f32 to vector<1x128xf32>
      %eq3A_73 = arith.cmpf oeq, %get3A_71, %eq3A_72 : vector<1x128xf32>
      %convert_element_type3A_74 = arith.extui %eq3A_73 : vector<1x128xi1> to vector<1x128xi32>
      %convert_element_type3A_75 = arith.sitofp %convert_element_type3A_74 : vector<1x128xi32> to vector<1x128xf32>
      %iota3A_76 = tpu.iota {dimensions = array<i32: 0>} : vector<128x128xi32>
      %iota3A_77 = tpu.iota {dimensions = array<i32: 1>} : vector<128x128xi32>
      %eq3A_78 = arith.cmpi eq, %iota3A_76, %iota3A_77 : vector<128x128xi32>
      %convert_element_type3A_79 = arith.extui %eq3A_78 : vector<128x128xi1> to vector<128x128xi32>
      %convert_element_type3A_80 = arith.sitofp %convert_element_type3A_79 : vector<128x128xi32> to vector<128x128xf32>
      %mul3A_81 = vector.broadcast %convert_element_type3A_75 : vector<1x128xf32> to vector<128x128xf32>
      %mul3A_82 = arith.mulf %convert_element_type3A_80, %mul3A_81 : vector<128x128xf32>
      %reduce_sum3A = arith.constant dense<0.000000e+00> : vector<128xf32>
      %reduce_sum3A_83 = vector.multi_reduction <add>, %mul3A_82, %reduce_sum3A [1] : vector<128x128xf32> to vector<128xf32>
      %broadcast_in_dim3A = vector.shape_cast %reduce_sum3A_83 : vector<128xf32> to vector<128x1xf32>
      %mul3A_84 = vector.broadcast %convert_element_type3A_75 : vector<1x128xf32> to vector<128x128xf32>
      %mul3A_85 = arith.mulf %mul3A_68, %mul3A_84 : vector<128x128xf32>
      %reduce_max3A = arith.constant dense<0xFF800000> : vector<128xf32>
      %reduce_max3A_86 = vector.multi_reduction <maximumf>, %mul3A_85, %reduce_max3A [1] : vector<128x128xf32> to vector<128xf32>
      %broadcast_in_dim3A_87 = vector.shape_cast %reduce_max3A_86 : vector<128xf32> to vector<128x1xf32>
      %sub3A_88 = arith.constant 1.000000e+00 : f32
      %sub3A_89 = vector.broadcast %sub3A_88 : f32 to vector<128x1xf32>
      %sub3A_90 = arith.subf %sub3A_89, %broadcast_in_dim3A_87 : vector<128x1xf32>
      %mul3A_91 = arith.mulf %broadcast_in_dim3A, %sub3A_90 : vector<128x1xf32>
      %mul3A_92 = vector.broadcast %mul3A_91 : vector<128x1xf32> to vector<128x128xf32>
      %mul3A_93 = arith.mulf %mul3A_67, %mul3A_92 : vector<128x128xf32>
      %reduce_max3A_94 = arith.constant dense<0xFF800000> : vector<128xf32>
      %reduce_max3A_95 = vector.multi_reduction <maximumf>, %mul3A_93, %reduce_max3A_94 [0] : vector<128x128xf32> to vector<128xf32>
      %broadcast_in_dim3A_96 = vector.shape_cast %reduce_max3A_95 : vector<128xf32> to vector<1x128xf32>
      %sub3A_97 = arith.constant 1.000000e+00 : f32
      %sub3A_98 = vector.broadcast %sub3A_97 : f32 to vector<1x128xf32>
      %sub3A_99 = arith.subf %sub3A_98, %broadcast_in_dim3A_96 : vector<1x128xf32>
      %mul3A_100 = arith.mulf %convert_element_type3A_75, %sub3A_99 : vector<1x128xf32>
      %ne3A = arith.cmpf one, %mul3A_100, %convert_element_type3A_75 : vector<1x128xf32>
      %reduce_or3A = arith.constant 1.000000e+00 : f32
      %reduce_or3A_101 = arith.constant 0.000000e+00 : f32
      %reduce_or3A_102 = vector.broadcast %reduce_or3A : f32 to vector<1x128xf32>
      %reduce_or3A_103 = vector.broadcast %reduce_or3A_101 : f32 to vector<1x128xf32>
      %reduce_or3A_104 = arith.select %ne3A, %reduce_or3A_102, %reduce_or3A_103 : vector<1x128xi1>, vector<1x128xf32>
      %reduce_or3A_105 = vector.shape_cast %reduce_or3A_104 : vector<1x128xf32> to vector<1x1x128xf32>
      %reduce_or3A_106 = arith.constant dense<0xFF800000> : vector<1xf32>
      %reduce_or3A_107 = vector.multi_reduction <maximumf>, %reduce_or3A_105, %reduce_or3A_106 [1, 2] : vector<1x1x128xf32> to vector<1xf32>
      %reduce_or3A_108 = vector.shape_cast %reduce_or3A_107 : vector<1xf32> to vector<1x1x1xf32>
      %reduce_or3A_109 = vector.extract %reduce_or3A_108[0, 0, 0] : f32 from vector<1x1x1xf32>
      %reduce_or3A_110 = arith.constant 0.000000e+00 : f32
      %reduce_or3A_111 = arith.cmpf ogt, %reduce_or3A_109, %reduce_or3A_110 : f32
      %while3A:3 = scf.while (%while3A_232 = %mul3A_100, %while3A_233 = %mul3A_91, %while3A_234 = %reduce_or3A_111) : (vector<1x128xf32>, vector<128x1xf32>, i1) -> (vector<1x128xf32>, vector<128x1xf32>, i1) {
        scf.condition(%while3A_234) %while3A_232, %while3A_233, %while3A_234 : vector<1x128xf32>, vector<128x1xf32>, i1
      } do {
      ^bb0(%while3A_232: vector<1x128xf32>, %while3A_233: vector<128x1xf32>, %while3A_234: i1):
        %mul3A_235 = vector.broadcast %while3A_232 : vector<1x128xf32> to vector<128x128xf32>
        %mul3A_236 = arith.mulf %mul3A_68, %mul3A_235 : vector<128x128xf32>
        %reduce_max3A_237 = arith.constant dense<0xFF800000> : vector<128xf32>
        %reduce_max3A_238 = vector.multi_reduction <maximumf>, %mul3A_236, %reduce_max3A_237 [1] : vector<128x128xf32> to vector<128xf32>
        %broadcast_in_dim3A_239 = vector.shape_cast %reduce_max3A_238 : vector<128xf32> to vector<128x1xf32>
        %sub3A_240 = arith.constant 1.000000e+00 : f32
        %sub3A_241 = vector.broadcast %sub3A_240 : f32 to vector<128x1xf32>
        %sub3A_242 = arith.subf %sub3A_241, %broadcast_in_dim3A_239 : vector<128x1xf32>
        %mul3A_243 = arith.mulf %broadcast_in_dim3A, %sub3A_242 : vector<128x1xf32>
        %mul3A_244 = vector.broadcast %mul3A_243 : vector<128x1xf32> to vector<128x128xf32>
        %mul3A_245 = arith.mulf %mul3A_67, %mul3A_244 : vector<128x128xf32>
        %reduce_max3A_246 = arith.constant dense<0xFF800000> : vector<128xf32>
        %reduce_max3A_247 = vector.multi_reduction <maximumf>, %mul3A_245, %reduce_max3A_246 [0] : vector<128x128xf32> to vector<128xf32>
        %broadcast_in_dim3A_248 = vector.shape_cast %reduce_max3A_247 : vector<128xf32> to vector<1x128xf32>
        %sub3A_249 = arith.constant 1.000000e+00 : f32
        %sub3A_250 = vector.broadcast %sub3A_249 : f32 to vector<1x128xf32>
        %sub3A_251 = arith.subf %sub3A_250, %broadcast_in_dim3A_248 : vector<1x128xf32>
        %mul3A_252 = arith.mulf %convert_element_type3A_75, %sub3A_251 : vector<1x128xf32>
        %ne3A_253 = arith.cmpf one, %mul3A_252, %while3A_232 : vector<1x128xf32>
        %reduce_or3A_254 = arith.constant 1.000000e+00 : f32
        %reduce_or3A_255 = arith.constant 0.000000e+00 : f32
        %reduce_or3A_256 = vector.broadcast %reduce_or3A_254 : f32 to vector<1x128xf32>
        %reduce_or3A_257 = vector.broadcast %reduce_or3A_255 : f32 to vector<1x128xf32>
        %reduce_or3A_258 = arith.select %ne3A_253, %reduce_or3A_256, %reduce_or3A_257 : vector<1x128xi1>, vector<1x128xf32>
        %reduce_or3A_259 = vector.shape_cast %reduce_or3A_258 : vector<1x128xf32> to vector<1x1x128xf32>
        %reduce_or3A_260 = arith.constant dense<0xFF800000> : vector<1xf32>
        %reduce_or3A_261 = vector.multi_reduction <maximumf>, %reduce_or3A_259, %reduce_or3A_260 [1, 2] : vector<1x1x128xf32> to vector<1xf32>
        %reduce_or3A_262 = vector.shape_cast %reduce_or3A_261 : vector<1xf32> to vector<1x1x1xf32>
        %reduce_or3A_263 = vector.extract %reduce_or3A_262[0, 0, 0] : f32 from vector<1x1x1xf32>
        %reduce_or3A_264 = arith.constant 0.000000e+00 : f32
        %reduce_or3A_265 = arith.cmpf ogt, %reduce_or3A_263, %reduce_or3A_264 : f32
        scf.yield %mul3A_252, %mul3A_243, %reduce_or3A_265 : vector<1x128xf32>, vector<128x1xf32>, i1
      }
      %sub3A_112 = arith.constant 1.000000e+00 : f32
      %sub3A_113 = vector.broadcast %sub3A_112 : f32 to vector<1x128xf32>
      %sub3A_114 = arith.subf %sub3A_113, %while3A#0 : vector<1x128xf32>
      %swap3A = arith.constant 0 : index
      %swap3A_115 = arith.index_cast %mul3A_14 : i32 to index
      %swap3A_116 = vector.load %arg7[%swap3A, %swap3A_115] : memref<1x5120xf32, #tpu.memory_space<vmem>>, vector<1x128xf32>
      tpu.vector_store %arg7[%swap3A, %swap3A_115], %sub3A_114 {strides = array<i32>} : memref<1x5120xf32, #tpu.memory_space<vmem>>, vector<1x128xf32>,
      %mul3A_117 = vector.broadcast %while3A#1 : vector<128x1xf32> to vector<128x16xf32>
      %mul3A_118 = arith.mulf %get3A_16, %mul3A_117 : vector<128x16xf32>
      %swap3A_119 = arith.index_cast %mul3A_14 : i32 to index
      %swap3A_120 = arith.constant 0 : index
      %swap3A_121 = vector.load %arg1[%swap3A_119, %swap3A_120] : memref<5120x16xf32, #tpu.memory_space<vmem>>, vector<128x16xf32>
      tpu.vector_store %arg1[%swap3A_119, %swap3A_120], %mul3A_118 {strides = array<i32>} : memref<5120x16xf32, #tpu.memory_space<vmem>>, vector<128x16xf32>,
      %gt3A_122 = arith.constant 0.000000e+00 : f32
      %gt3A_123 = vector.broadcast %gt3A_122 : f32 to vector<128x1xf32>
      %gt3A_124 = arith.cmpf ogt, %while3A#1, %gt3A_123 : vector<128x1xf32>
      %jit3A = arith.constant 1.000000e+09 : f32
      %broadcast_in_dim3A_125 = vector.broadcast %jit3A : f32 to vector<128x1xf32>
      %select_n3A = arith.select %gt3A_124, %slice3A, %broadcast_in_dim3A_125 : vector<128x1xi1>, vector<128x1xf32>
      %jit3A_126 = arith.constant -1.000000e+09 : f32
      %broadcast_in_dim3A_127 = vector.broadcast %jit3A_126 : f32 to vector<128x1xf32>
      %select_n3A_128 = arith.select %gt3A_124, %slice3A_18, %broadcast_in_dim3A_127 : vector<128x1xi1>, vector<128x1xf32>
      %mul3A_129 = arith.mulf %mul3A_21, %while3A#1 : vector<128x1xf32>
      %jit3A_130 = arith.constant 4 : i32
      %div3A_131 = arith.divsi %scan3A_13, %jit3A_130 : i32
      %sign3A = arith.constant 0 : i32
      %sign3A_132 = arith.cmpi sgt, %scan3A_13, %sign3A : i32
      %sign3A_133 = arith.extui %sign3A_132 : i1 to i32
      %sign3A_134 = arith.constant 0 : i32
      %sign3A_135 = arith.cmpi slt, %scan3A_13, %sign3A_134 : i32
      %sign3A_136 = arith.extui %sign3A_135 : i1 to i32
      %sign3A_137 = arith.subi %sign3A_133, %sign3A_136 : i32
      %sign3A_138 = arith.constant 0 : i32
      %sign3A_139 = arith.cmpi sgt, %jit3A_130, %sign3A_138 : i32
      %sign3A_140 = arith.extui %sign3A_139 : i1 to i32
      %sign3A_141 = arith.constant 0 : i32
      %sign3A_142 = arith.cmpi slt, %jit3A_130, %sign3A_141 : i32
      %sign3A_143 = arith.extui %sign3A_142 : i1 to i32
      %sign3A_144 = arith.subi %sign3A_140, %sign3A_143 : i32
      %ne3A_145 = arith.cmpi ne, %sign3A_137, %sign3A_144 : i32
      %rem3A = arith.remsi %scan3A_13, %jit3A_130 : i32
      %ne3A_146 = arith.constant 0 : i32
      %ne3A_147 = arith.cmpi ne, %rem3A, %ne3A_146 : i32
      %and3A = arith.andi %ne3A_145, %ne3A_147 : i1
      %sub3A_148 = arith.constant 1 : i32
      %sub3A_149 = arith.subi %div3A_131, %sub3A_148 : i32
      %select_n3A_150 = arith.select %and3A, %sub3A_149, %div3A_131 : i32
      %mul3A_151 = arith.constant 512 : i32
      %mul3A_152 = arith.muli %select_n3A_150, %mul3A_151 : i32
      %multiple_of3A = tpu.assume_multiple %mul3A_152, 512 : i32
      %get3A_153 = arith.constant 0 : index
      %get3A_154 = arith.index_cast %multiple_of3A : i32 to index
      %get3A_155 = vector.load %arg2[%get3A_153, %get3A_154] : memref<1x5120xf32, #tpu.memory_space<vmem>>, vector<1x512xf32>
      %get3A_156 = arith.constant 0 : index
      %get3A_157 = arith.index_cast %multiple_of3A : i32 to index
      %get3A_158 = vector.load %arg3[%get3A_156, %get3A_157] : memref<1x5120xf32, #tpu.memory_space<vmem>>, vector<1x512xf32>
      %get3A_159 = arith.constant 0 : index
      %get3A_160 = arith.index_cast %multiple_of3A : i32 to index
      %get3A_161 = vector.load %arg4[%get3A_159, %get3A_160] : memref<1x5120xf32, #tpu.memory_space<vmem>>, vector<1x512xf32>
      %get3A_162 = arith.constant 0 : index
      %get3A_163 = arith.index_cast %multiple_of3A : i32 to index
      %get3A_164 = vector.load %arg5[%get3A_162, %get3A_163] : memref<1x5120xf32, #tpu.memory_space<vmem>>, vector<1x512xf32>
      %get3A_165 = arith.constant 0 : index
      %get3A_166 = arith.index_cast %multiple_of3A : i32 to index
      %get3A_167 = vector.load %arg6[%get3A_165, %get3A_166] : memref<1x5120xf32, #tpu.memory_space<vmem>>, vector<1x512xf32>
      %max3A_168 = vector.broadcast %select_n3A : vector<128x1xf32> to vector<128x512xf32>
      %max3A_169 = vector.broadcast %get3A_155 : vector<1x512xf32> to vector<128x512xf32>
      %max3A_170 = arith.maximumf %max3A_168, %max3A_169 : vector<128x512xf32>
      %max3A_171 = vector.broadcast %slice3A_17 : vector<128x1xf32> to vector<128x512xf32>
      %max3A_172 = vector.broadcast %get3A_158 : vector<1x512xf32> to vector<128x512xf32>
      %max3A_173 = arith.maximumf %max3A_171, %max3A_172 : vector<128x512xf32>
      %min3A_174 = vector.broadcast %select_n3A_128 : vector<128x1xf32> to vector<128x512xf32>
      %min3A_175 = vector.broadcast %get3A_161 : vector<1x512xf32> to vector<128x512xf32>
      %min3A_176 = arith.minimumf %min3A_174, %min3A_175 : vector<128x512xf32>
      %min3A_177 = vector.broadcast %slice3A_19 : vector<128x1xf32> to vector<128x512xf32>
      %min3A_178 = vector.broadcast %get3A_164 : vector<1x512xf32> to vector<128x512xf32>
      %min3A_179 = arith.minimumf %min3A_177, %min3A_178 : vector<128x512xf32>
      %sub3A_180 = arith.subf %min3A_176, %max3A_170 : vector<128x512xf32>
      %max3A_181 = arith.constant 0.000000e+00 : f32
      %max3A_182 = vector.broadcast %max3A_181 : f32 to vector<128x512xf32>
      %max3A_183 = arith.maximumf %sub3A_180, %max3A_182 : vector<128x512xf32>
      %sub3A_184 = arith.subf %min3A_179, %max3A_173 : vector<128x512xf32>
      %max3A_185 = arith.constant 0.000000e+00 : f32
      %max3A_186 = vector.broadcast %max3A_185 : f32 to vector<128x512xf32>
      %max3A_187 = arith.maximumf %sub3A_184, %max3A_186 : vector<128x512xf32>
      %mul3A_188 = arith.mulf %max3A_183, %max3A_187 : vector<128x512xf32>
      %add3A_189 = vector.broadcast %mul3A_129 : vector<128x1xf32> to vector<128x512xf32>
      %add3A_190 = vector.broadcast %get3A_167 : vector<1x512xf32> to vector<128x512xf32>
      %add3A_191 = arith.addf %add3A_189, %add3A_190 : vector<128x512xf32>
      %sub3A_192 = arith.subf %add3A_191, %mul3A_188 : vector<128x512xf32>
      %div3A_193 = arith.divf %mul3A_188, %sub3A_192 : vector<128x512xf32>
      %iota3A_194 = tpu.iota {dimensions = array<i32: 1>} : vector<1x512xi32>
      %add3A_195 = vector.broadcast %multiple_of3A : i32 to vector<1x512xi32>
      %add3A_196 = arith.addi %add3A_195, %iota3A_194 : vector<1x512xi32>
      %gt3A_197 = vector.broadcast %add3A_196 : vector<1x512xi32> to vector<128x512xi32>
      %gt3A_198 = vector.broadcast %add3A_23 : vector<128x1xi32> to vector<128x512xi32>
      %gt3A_199 = arith.cmpi sgt, %gt3A_197, %gt3A_198 : vector<128x512xi32>
      %jit3A_200 = arith.constant 0.000000e+00 : f32
      %broadcast_in_dim3A_201 = vector.broadcast %jit3A_200 : f32 to vector<128x512xf32>
      %select_n3A_202 = arith.select %gt3A_199, %div3A_193, %broadcast_in_dim3A_201 : vector<128x512xi1>, vector<128x512xf32>
      %reduce_max3A_203 = arith.constant dense<0xFF800000> : vector<512xf32>
      %reduce_max3A_204 = vector.multi_reduction <maximumf>, %select_n3A_202, %reduce_max3A_203 [0] : vector<128x512xf32> to vector<512xf32>
      %broadcast_in_dim3A_205 = vector.shape_cast %reduce_max3A_204 : vector<512xf32> to vector<1x512xf32>
      %gt3A_206 = arith.constant 4.500000e-01 : f32
      %gt3A_207 = vector.broadcast %gt3A_206 : f32 to vector<1x512xf32>
      %gt3A_208 = arith.cmpf ogt, %broadcast_in_dim3A_205, %gt3A_207 : vector<1x512xf32>
      %convert_element_type3A_209 = arith.extui %gt3A_208 : vector<1x512xi1> to vector<1x512xi32>
      %convert_element_type3A_210 = arith.sitofp %convert_element_type3A_209 : vector<1x512xi32> to vector<1x512xf32>
      %get3A_211 = arith.constant 0 : index
      %get3A_212 = arith.index_cast %multiple_of3A : i32 to index
      %get3A_213 = vector.load %arg7[%get3A_211, %get3A_212] : memref<1x5120xf32, #tpu.memory_space<vmem>>, vector<1x512xf32>
      %max3A_214 = arith.maximumf %get3A_213, %convert_element_type3A_210 : vector<1x512xf32>
      %swap3A_215 = arith.constant 0 : index
      %swap3A_216 = arith.index_cast %multiple_of3A : i32 to index
      %swap3A_217 = vector.load %arg7[%swap3A_215, %swap3A_216] : memref<1x5120xf32, #tpu.memory_space<vmem>>, vector<1x512xf32>
      tpu.vector_store %arg7[%swap3A_215, %swap3A_216], %max3A_214 {strides = array<i32>} : memref<1x5120xf32, #tpu.memory_space<vmem>>, vector<1x512xf32>,
      %add3A_218 = arith.constant 1 : i32
      %add3A_219 = arith.addi %select_n3A_150, %add3A_218 : i32
      %while3A_220 = arith.constant 10 : i32
      %while3A_221 = arith.constant 0 : i32
      %while3A_222 = arith.subi %while3A_220, %add3A_219 : i32
      %while3A_223 = arith.addi %add3A_219, %while3A_222 : i32
      %while3A_224 = arith.constant 1 : i32
      %while3A_225 = arith.divsi %while3A_222, %while3A_224 : i32
      %while3A_226 = arith.muli %while3A_225, %while3A_224 : i32
      %while3A_227 = arith.addi %add3A_219, %while3A_226 : i32
      %while3A_228 = arith.constant 1 : i32
      %while3A_229 = scf.for %while3A_232 = %add3A_219 to %while3A_227 step %while3A_228 iter_args(%while3A_233 = %while3A_221) -> (i32)  : i32 {
        %mul3A_234 = arith.constant 512 : i32
        %mul3A_235 = arith.muli %while3A_232, %mul3A_234 : i32
        %multiple_of3A_236 = tpu.assume_multiple %mul3A_235, 512 : i32
        %get3A_237 = arith.constant 0 : index
        %get3A_238 = arith.index_cast %multiple_of3A_236 : i32 to index
        %get3A_239 = vector.load %arg2[%get3A_237, %get3A_238] : memref<1x5120xf32, #tpu.memory_space<vmem>>, vector<1x512xf32>
        %get3A_240 = arith.constant 0 : index
        %get3A_241 = arith.index_cast %multiple_of3A_236 : i32 to index
        %get3A_242 = vector.load %arg3[%get3A_240, %get3A_241] : memref<1x5120xf32, #tpu.memory_space<vmem>>, vector<1x512xf32>
        %get3A_243 = arith.constant 0 : index
        %get3A_244 = arith.index_cast %multiple_of3A_236 : i32 to index
        %get3A_245 = vector.load %arg4[%get3A_243, %get3A_244] : memref<1x5120xf32, #tpu.memory_space<vmem>>, vector<1x512xf32>
        %get3A_246 = arith.constant 0 : index
        %get3A_247 = arith.index_cast %multiple_of3A_236 : i32 to index
        %get3A_248 = vector.load %arg5[%get3A_246, %get3A_247] : memref<1x5120xf32, #tpu.memory_space<vmem>>, vector<1x512xf32>
        %get3A_249 = arith.constant 0 : index
        %get3A_250 = arith.index_cast %multiple_of3A_236 : i32 to index
        %get3A_251 = vector.load %arg6[%get3A_249, %get3A_250] : memref<1x5120xf32, #tpu.memory_space<vmem>>, vector<1x512xf32>
        %max3A_252 = vector.broadcast %select_n3A : vector<128x1xf32> to vector<128x512xf32>
        %max3A_253 = vector.broadcast %get3A_239 : vector<1x512xf32> to vector<128x512xf32>
        %max3A_254 = arith.maximumf %max3A_252, %max3A_253 : vector<128x512xf32>
        %max3A_255 = vector.broadcast %slice3A_17 : vector<128x1xf32> to vector<128x512xf32>
        %max3A_256 = vector.broadcast %get3A_242 : vector<1x512xf32> to vector<128x512xf32>
        %max3A_257 = arith.maximumf %max3A_255, %max3A_256 : vector<128x512xf32>
        %min3A_258 = vector.broadcast %select_n3A_128 : vector<128x1xf32> to vector<128x512xf32>
        %min3A_259 = vector.broadcast %get3A_245 : vector<1x512xf32> to vector<128x512xf32>
        %min3A_260 = arith.minimumf %min3A_258, %min3A_259 : vector<128x512xf32>
        %min3A_261 = vector.broadcast %slice3A_19 : vector<128x1xf32> to vector<128x512xf32>
        %min3A_262 = vector.broadcast %get3A_248 : vector<1x512xf32> to vector<128x512xf32>
        %min3A_263 = arith.minimumf %min3A_261, %min3A_262 : vector<128x512xf32>
        %sub3A_264 = arith.subf %min3A_260, %max3A_254 : vector<128x512xf32>
        %max3A_265 = arith.constant 0.000000e+00 : f32
        %max3A_266 = vector.broadcast %max3A_265 : f32 to vector<128x512xf32>
        %max3A_267 = arith.maximumf %sub3A_264, %max3A_266 : vector<128x512xf32>
        %sub3A_268 = arith.subf %min3A_263, %max3A_257 : vector<128x512xf32>
        %max3A_269 = arith.constant 0.000000e+00 : f32
        %max3A_270 = vector.broadcast %max3A_269 : f32 to vector<128x512xf32>
        %max3A_271 = arith.maximumf %sub3A_268, %max3A_270 : vector<128x512xf32>
        %mul3A_272 = arith.mulf %max3A_267, %max3A_271 : vector<128x512xf32>
        %add3A_273 = vector.broadcast %mul3A_129 : vector<128x1xf32> to vector<128x512xf32>
        %add3A_274 = vector.broadcast %get3A_251 : vector<1x512xf32> to vector<128x512xf32>
        %add3A_275 = arith.addf %add3A_273, %add3A_274 : vector<128x512xf32>
        %sub3A_276 = arith.subf %add3A_275, %mul3A_272 : vector<128x512xf32>
        %div3A_277 = arith.divf %mul3A_272, %sub3A_276 : vector<128x512xf32>
        %reduce_max3A_278 = arith.constant dense<0xFF800000> : vector<512xf32>
        %reduce_max3A_279 = vector.multi_reduction <maximumf>, %div3A_277, %reduce_max3A_278 [0] : vector<128x512xf32> to vector<512xf32>
        %broadcast_in_dim3A_280 = vector.shape_cast %reduce_max3A_279 : vector<512xf32> to vector<1x512xf32>
        %gt3A_281 = arith.constant 4.500000e-01 : f32
        %gt3A_282 = vector.broadcast %gt3A_281 : f32 to vector<1x512xf32>
        %gt3A_283 = arith.cmpf ogt, %broadcast_in_dim3A_280, %gt3A_282 : vector<1x512xf32>
        %convert_element_type3A_284 = arith.extui %gt3A_283 : vector<1x512xi1> to vector<1x512xi32>
        %convert_element_type3A_285 = arith.sitofp %convert_element_type3A_284 : vector<1x512xi32> to vector<1x512xf32>
        %get3A_286 = arith.constant 0 : index
        %get3A_287 = arith.index_cast %multiple_of3A_236 : i32 to index
        %get3A_288 = vector.load %arg7[%get3A_286, %get3A_287] : memref<1x5120xf32, #tpu.memory_space<vmem>>, vector<1x512xf32>
        %max3A_289 = arith.maximumf %get3A_288, %convert_element_type3A_285 : vector<1x512xf32>
        %swap3A_290 = arith.constant 0 : index
        %swap3A_291 = arith.index_cast %multiple_of3A_236 : i32 to index
        %swap3A_292 = vector.load %arg7[%swap3A_290, %swap3A_291] : memref<1x5120xf32, #tpu.memory_space<vmem>>, vector<1x512xf32>
        tpu.vector_store %arg7[%swap3A_290, %swap3A_291], %max3A_289 {strides = array<i32>} : memref<1x5120xf32, #tpu.memory_space<vmem>>, vector<1x512xf32>,
        %while3A_293 = arith.constant 0 : i32
        scf.yield %while3A_293 : i32
      }
      %while3A_230 = arith.constant 1 : i32
      %while3A_231 = scf.for %while3A_232 = %while3A_227 to %while3A_223 step %while3A_230 iter_args(%while3A_233 = %while3A_229) -> (i32)  : i32 {
        %mul3A_234 = arith.constant 512 : i32
        %mul3A_235 = arith.muli %while3A_232, %mul3A_234 : i32
        %multiple_of3A_236 = tpu.assume_multiple %mul3A_235, 512 : i32
        %get3A_237 = arith.constant 0 : index
        %get3A_238 = arith.index_cast %multiple_of3A_236 : i32 to index
        %get3A_239 = vector.load %arg2[%get3A_237, %get3A_238] : memref<1x5120xf32, #tpu.memory_space<vmem>>, vector<1x512xf32>
        %get3A_240 = arith.constant 0 : index
        %get3A_241 = arith.index_cast %multiple_of3A_236 : i32 to index
        %get3A_242 = vector.load %arg3[%get3A_240, %get3A_241] : memref<1x5120xf32, #tpu.memory_space<vmem>>, vector<1x512xf32>
        %get3A_243 = arith.constant 0 : index
        %get3A_244 = arith.index_cast %multiple_of3A_236 : i32 to index
        %get3A_245 = vector.load %arg4[%get3A_243, %get3A_244] : memref<1x5120xf32, #tpu.memory_space<vmem>>, vector<1x512xf32>
        %get3A_246 = arith.constant 0 : index
        %get3A_247 = arith.index_cast %multiple_of3A_236 : i32 to index
        %get3A_248 = vector.load %arg5[%get3A_246, %get3A_247] : memref<1x5120xf32, #tpu.memory_space<vmem>>, vector<1x512xf32>
        %get3A_249 = arith.constant 0 : index
        %get3A_250 = arith.index_cast %multiple_of3A_236 : i32 to index
        %get3A_251 = vector.load %arg6[%get3A_249, %get3A_250] : memref<1x5120xf32, #tpu.memory_space<vmem>>, vector<1x512xf32>
        %max3A_252 = vector.broadcast %select_n3A : vector<128x1xf32> to vector<128x512xf32>
        %max3A_253 = vector.broadcast %get3A_239 : vector<1x512xf32> to vector<128x512xf32>
        %max3A_254 = arith.maximumf %max3A_252, %max3A_253 : vector<128x512xf32>
        %max3A_255 = vector.broadcast %slice3A_17 : vector<128x1xf32> to vector<128x512xf32>
        %max3A_256 = vector.broadcast %get3A_242 : vector<1x512xf32> to vector<128x512xf32>
        %max3A_257 = arith.maximumf %max3A_255, %max3A_256 : vector<128x512xf32>
        %min3A_258 = vector.broadcast %select_n3A_128 : vector<128x1xf32> to vector<128x512xf32>
        %min3A_259 = vector.broadcast %get3A_245 : vector<1x512xf32> to vector<128x512xf32>
        %min3A_260 = arith.minimumf %min3A_258, %min3A_259 : vector<128x512xf32>
        %min3A_261 = vector.broadcast %slice3A_19 : vector<128x1xf32> to vector<128x512xf32>
        %min3A_262 = vector.broadcast %get3A_248 : vector<1x512xf32> to vector<128x512xf32>
        %min3A_263 = arith.minimumf %min3A_261, %min3A_262 : vector<128x512xf32>
        %sub3A_264 = arith.subf %min3A_260, %max3A_254 : vector<128x512xf32>
        %max3A_265 = arith.constant 0.000000e+00 : f32
        %max3A_266 = vector.broadcast %max3A_265 : f32 to vector<128x512xf32>
        %max3A_267 = arith.maximumf %sub3A_264, %max3A_266 : vector<128x512xf32>
        %sub3A_268 = arith.subf %min3A_263, %max3A_257 : vector<128x512xf32>
        %max3A_269 = arith.constant 0.000000e+00 : f32
        %max3A_270 = vector.broadcast %max3A_269 : f32 to vector<128x512xf32>
        %max3A_271 = arith.maximumf %sub3A_268, %max3A_270 : vector<128x512xf32>
        %mul3A_272 = arith.mulf %max3A_267, %max3A_271 : vector<128x512xf32>
        %add3A_273 = vector.broadcast %mul3A_129 : vector<128x1xf32> to vector<128x512xf32>
        %add3A_274 = vector.broadcast %get3A_251 : vector<1x512xf32> to vector<128x512xf32>
        %add3A_275 = arith.addf %add3A_273, %add3A_274 : vector<128x512xf32>
        %sub3A_276 = arith.subf %add3A_275, %mul3A_272 : vector<128x512xf32>
        %div3A_277 = arith.divf %mul3A_272, %sub3A_276 : vector<128x512xf32>
        %reduce_max3A_278 = arith.constant dense<0xFF800000> : vector<512xf32>
        %reduce_max3A_279 = vector.multi_reduction <maximumf>, %div3A_277, %reduce_max3A_278 [0] : vector<128x512xf32> to vector<512xf32>
        %broadcast_in_dim3A_280 = vector.shape_cast %reduce_max3A_279 : vector<512xf32> to vector<1x512xf32>
        %gt3A_281 = arith.constant 4.500000e-01 : f32
        %gt3A_282 = vector.broadcast %gt3A_281 : f32 to vector<1x512xf32>
        %gt3A_283 = arith.cmpf ogt, %broadcast_in_dim3A_280, %gt3A_282 : vector<1x512xf32>
        %convert_element_type3A_284 = arith.extui %gt3A_283 : vector<1x512xi1> to vector<1x512xi32>
        %convert_element_type3A_285 = arith.sitofp %convert_element_type3A_284 : vector<1x512xi32> to vector<1x512xf32>
        %get3A_286 = arith.constant 0 : index
        %get3A_287 = arith.index_cast %multiple_of3A_236 : i32 to index
        %get3A_288 = vector.load %arg7[%get3A_286, %get3A_287] : memref<1x5120xf32, #tpu.memory_space<vmem>>, vector<1x512xf32>
        %max3A_289 = arith.maximumf %get3A_288, %convert_element_type3A_285 : vector<1x512xf32>
        %swap3A_290 = arith.constant 0 : index
        %swap3A_291 = arith.index_cast %multiple_of3A_236 : i32 to index
        %swap3A_292 = vector.load %arg7[%swap3A_290, %swap3A_291] : memref<1x5120xf32, #tpu.memory_space<vmem>>, vector<1x512xf32>
        tpu.vector_store %arg7[%swap3A_290, %swap3A_291], %max3A_289 {strides = array<i32>} : memref<1x5120xf32, #tpu.memory_space<vmem>>, vector<1x512xf32>,
        %while3A_293 = arith.constant 0 : i32
        scf.yield %while3A_293 : i32
      }
    }
    %scan3A_12 = arith.constant 40 : i32
    return
  }
}

</mosaic_0001>

<sc_bundles>
// kernel: kernel.5.cloned.1.call-start
scs
__scs_entry_jumppad:
0x0: {  	(pc) =	sbr.rel $0x88, $3  }
0x1: {  	(tag) =	ssettag $0x0;
	lr =	simm.s32 $0x1  }
0x2: {  	[smem:$0x3F9F] =	sst lr;
	_ =	strace $0xD0000000  }
0x3: {  	_ = 	snop  }
0x4: {  	_ = 	snop  }
0x5: {  	_ = 	snop  }
0x6: {  	_ = 	snop  }
0x7: {  	_ = 	snop  }
__scs_overlays_trampoline_lowered:
0x8: {  	[smem:$0x3FAE] =	sst s0  }
0x9: {  	[smem:$0x3FAF] =	sst s1  }
0xa: {  	[smem:$0x3FB0] =	sst s2  }
0xb: {  	[smem:$0x3FB1] =	sst s3  }
0xc: {  	[smem:$0x3FB2] =	sst s4  }
0xd: {  	[smem:$0x3FB3] =	sst s5  }
0xe: {  	[smem:$0x3FB4] =	sst s6  }
0xf: {  	[smem:$0x3FB5] =	sst s7  }
0x10: {  	[smem:$0x3FB6] =	sst s8  }
0x11: {  	[smem:$0x3FB7] =	sst s9;
	s0 =	simm.s32 @!p0 $0x0  }
0x12: {  	s1 =	sld [smem:$0x3F9D];
	s0 =	simm.s32 @p0 $0x1  }
0x13: {  	[smem:$0x3FB8] =	sst s0;
	s0 =	simm.s32 @!p1 $0x0  }
0x14: {  	s2 =	sld [smem:$0x3F9C];
	s0 =	simm.s32 @p1 $0x1  }
0x15: {  	[smem:$0x3FB9] =	sst s0;
	s0 =	simm.s32 @!p2 $0x0  }
0x16: {  	s3 =	sld [smem:$0x3FDB];
	s0 =	simm.s32 @p2 $0x1  }
0x17: {  	s4 =	simm.s32 $0x1BF5;
	[smem:$0x3FBB] =	sst s0  }
0x18: {  	s0 =	sld [smem:$0x3F9E];
	_ =	swait.ge [sflag:s4], $0x0  }
0x19: {  	s7 =	sld [smem:$0x3F9F]  }
0x1a: {  	s8 =	sadd.s32 $0xFFFFE003, lr  }
0x1b: {  	s9 =	sadd.s32 $0xFFFFFEF7, lr;
	s5 =	simm.s32 $0xFFFFFFFF;
	p2 =	slt.u32 s8, $0xFFFFF086  }
0x1c: {  	p1 =	slt.u32 s9, $0xF7A;
	s5 =	simm.s32 @!p2 $0x0  }
0x1d: {  	s5 =	simm.s32 @p1 $0x1;
	p0 =	seq.s32 s7, s2  }
0x1e: {  	s7 =	smul.u32 @!p0 $0xF7A, s2;
	p2 =	seq.s32 @!p0 s5, $0x0  }
0x1f: {  	s9 =	smul.u32 $0xF7A, s1;
	s8 =	simm.s32 @!p0 $0x1BF5;
	p2 =	por !p2, p0  }
0x20: {  	[sflag:s8] =	ssyncset.s32 @!p0 $0xFFFFF086;
	s6 =	sadd.s32 @!p0 s3, s7;
	s7 =	simm.s32 @!p0 $0x108  }
0x21: {  	s3 =	sadd.s32 s3, s9;
	s6 =	sadd.s32 @!p0 $0x88, s6;
	s7 =	simm.s32 @p2 $0x1082  }
0x22: {  	[simem:s7], [sflag:s8] =	dma.local @!p0 [hbm:s6], $0xF7A  }
0x23: {  	s9 =	sor.u32 $0xD0000000, s2;
	s6 =	simm.s32 $0x108;
	_ =	swait.ge @!p0 [sflag:s8], $0x0  }
0x24: {  	s3 =	sadd.s32 $0x88, s3;
	s6 =	simm.s32 @!p1 $0x1082;
	[sflag:s4] =	ssyncset.s32 $0xFFFFF086  }
0x25: {  	[simem:s6], [sflag:s4] =	dma.local [hbm:s3], $0xF7A  }
0x26: {  	[smem:$0x3F9F] =	sst s1;
	(tag) =	ssettag s2;
	_ =	strace s9  }
0x27: {  	s1 =	sld [smem:$0x3FAF]  }
0x28: {  	s2 =	sld [smem:$0x3FB0]  }
0x29: {  	s4 =	sld [smem:$0x3FB2]  }
0x2a: {  	p0 =	seq.s32 s5, $0x0;
	s5 =	sld [smem:$0x3FB3]  }
0x2b: {  	s6 =	sld [smem:$0x3FB4]  }
0x2c: {  	s7 =	sld [smem:$0x3FB5]  }
0x2d: {  	s3 =	simm.s32 $0x108;
	s8 =	sld [smem:$0x3FB6]  }
0x2e: {  	s3 =	simm.s32 @!p0 $0x1082;
	s9 =	sld [smem:$0x3FB7]  }
0x2f: {  	lr =	sadd.s32 s0, s3;
	s0 =	sld [smem:$0x3FAE]  }
0x30: {  	s3 =	sld [smem:$0x3FB1]  }
0x31: {  	[smem:$0x3FBA] =	sst s10  }
0x32: {  	s10 =	sld [smem:$0x3FB8];
	_ =	sdelay $0x3  }
0x33: {  	p0 =	seq.s32 s10, $0x1;
	s10 =	sld [smem:$0x3FBA];
	_ =	sdelay $0x3  }
0x34: {  	[smem:$0x3FBA] =	sst s10  }
0x35: {  	s10 =	sld [smem:$0x3FB9];
	_ =	sdelay $0x3  }
0x36: {  	p1 =	seq.s32 s10, $0x1;
	s10 =	sld [smem:$0x3FBA];
	_ =	sdelay $0x3  }
0x37: {  	[smem:$0x3FBA] =	sst s10  }
0x38: {  	s10 =	sld [smem:$0x3FBB]  }
0x39: {  	_ = 	snop;
	(pc) =	sbr.ind lr, $3  }
0x3a: {  	_ = 	snop  }
0x3b: {  	_ = 	snop  }
0x3c: {  	p2 =	seq.s32 s10, $0x1;
	s10 =	sld [smem:$0x3FBA]  }
0x3d: {  	_ =	shalt  }
0x3e: {  	_ =	shalt  }
0x3f: {  	_ =	shalt  }
0x40: {  	_ =	shalt  }
0x41: {  	_ =	shalt  }
0x42: {  	_ =	shalt  }
0x43: {  	_ =	shalt  }
0x44: {  	_ =	shalt  }
0x45: {  	_ =	shalt  }
0x46: {  	_ =	shalt  }
0x47: {  	_ =	shalt  }
0x48: {  	_ =	shalt  }
0x49: {  	_ =	shalt  }
0x4a: {  	_ =	shalt  }
0x4b: {  	_ =	shalt  }
0x4c: {  	_ =	shalt  }
0x4d: {  	_ =	shalt  }
0x4e: {  	_ =	shalt  }
0x4f: {  	_ =	shalt  }
0x50: {  	_ =	shalt  }
0x51: {  	_ =	shalt  }
0x52: {  	_ =	shalt  }
0x53: {  	_ =	shalt  }
0x54: {  	_ =	shalt  }
0x55: {  	_ =	shalt  }
0x56: {  	_ =	shalt  }
0x57: {  	_ =	shalt  }
0x58: {  	_ =	shalt  }
0x59: {  	_ =	shalt  }
0x5a: {  	_ =	shalt  }
0x5b: {  	_ =	shalt  }
0x5c: {  	_ =	shalt  }
0x5d: {  	_ =	shalt  }
0x5e: {  	_ =	shalt  }
0x5f: {  	_ =	shalt  }
0x60: {  	_ =	shalt  }
0x61: {  	_ =	shalt  }
0x62: {  	_ =	shalt  }
0x63: {  	_ =	shalt  }
0x64: {  	_ =	shalt  }
0x65: {  	_ =	shalt  }
0x66: {  	_ =	shalt  }
0x67: {  	_ =	shalt  }
0x68: {  	_ =	shalt  }
0x69: {  	_ =	shalt  }
0x6a: {  	_ =	shalt  }
0x6b: {  	_ =	shalt  }
0x6c: {  	_ =	shalt  }
0x6d: {  	_ =	shalt  }
0x6e: {  	_ =	shalt  }
0x6f: {  	_ =	shalt  }
0x70: {  	_ =	shalt  }
0x71: {  	_ =	shalt  }
0x72: {  	_ =	shalt  }
0x73: {  	_ =	shalt  }
0x74: {  	_ =	shalt  }
0x75: {  	_ =	shalt  }
0x76: {  	_ =	shalt  }
0x77: {  	_ =	shalt  }
0x78: {  	_ =	shalt  }
0x79: {  	_ =	shalt  }
0x7a: {  	_ =	shalt  }
0x7b: {  	_ =	shalt  }
0x7c: {  	_ =	shalt  }
0x7d: {  	_ =	shalt  }
0x7e: {  	_ =	shalt  }
0x7f: {  	_ =	shalt  }
0x80: {  	_ =	shalt  }
0x81: {  	_ =	shalt  }
0x82: {  	_ =	shalt  }
0x83: {  	_ =	shalt  }
0x84: {  	_ =	shalt  }
0x85: {  	_ =	shalt  }
0x86: {  	_ =	shalt  }
0x87: {  	_ =	shalt  }
.Lfunc_end0:
.L_simem_size_0:
called_computation_lowered:
.L_overlay_start_0:
0x88: {  	s2 =	sld [smem:$0x3FD9]  }
0x89: {  	s3 =	sld [smem:$0x3FFE];
	_ =	sdelay $0x1  }
0x8a: {  	s1 =	srdreg.scid  }
0x8b: {  	s0 =	sand.u32 $0x1, s1  }
0x8c: {  	s17 =	sshll.u32 s0, $0xA;
	s2 =	sadd.s32 s3, s2  }
0x8d: {  	s2 =	sadd.s32 s2, s17  }
0x8e: {  	[smem:$0x3FC6] =	sst s2  }
0x8f: {  	_ = 	snop  }
0x90: {  	s2 =	sld [smem:$0x3FD0];
	(tm) =	ssettm $0x1  }
0x91: {  	s18 =	sld [smem:$0x3FFB];
	_ =	sdelay $0x3  }
0x92: {  	_ =	strace s18  }
0x93: {  	s3 =	sld [smem:$0x3FFC];
	_ =	sdelay $0x3  }
0x94: {  	_ =	strace s3  }
0x95: {  	s3 =	sld [smem:$0x3FFD];
	_ =	sdelay $0x3  }
0x96: {  	_ =	strace s3  }
0x97: {  	_ =	strace $0x8FFFFFFF  }
0x98: {  	s19 =	sld [smem:$0x3FDB];
	_ =	sdelay $0x1  }
0x99: {  	s4 =	simm.s32 $_scs_section_size  }
0x9a: {  	s5 =	simm.s32 $_size__tile_overlayer_lowered;
	s6 =	simm.s32 $_tile_overlayer_lowered  }
0x9b: {  	s22 =	simm.s32 $0x1BFF;
	s21 =	sshll.u32 s6, $0x1;
	s3 =	sadd.s32 s4, s19  }
0x9c: {  	s7 =	simm.s32 $0x0;
	s20 =	sshll.u32 s5, $0x1;
	s5 =	sadd.s32 s21, s3  }
0x9d: {  	[timem:s7], [sflag:s22] =	dma.local [hbm:s5], s20  }
0x9e: {  	_ =	swait.ge [sflag:s22], s20  }
0x9f: {  	s4 =	ssub.s32 $0x0, s20;
	[sflag:s22] =	ssyncset.done $0x0  }
0xa0: {  	[sflag:s22] =	ssyncadd.s32 s4;
	_ =	sdelay $0x1  }
0xa1: {  	s23 =	simm.s32 $0x1B8B  }
0xa2: {  	_ =	swait.ge [sflag:s23], $0x1  }
0xa3: {  	[sflag:s23] =	ssyncset.done $0x0  }
0xa4: {  	s25 =	simm.s32 $0x1B8E;
	s24 =	sld [smem:$0x3FFE];
	[sflag:s23] =	ssyncadd.s32 $0xFFFFFFFF  }
0xa5: {  	s26 =	simm.s32 $execute0_lowered;
	[smem:$0x3FD2] =	sst s25  }
0xa6: {  	s5 =	sshll.u32 s26, $0x1;
	_ =	strace $0x80000046;
	[dreg:$0x1] =	wrdreg $0xFFFFFFFF  }
0xa7: {  	s28 =	simm.s32 $_size_execute0_lowered;
	s3 =	sadd.s32 s3, s5;
	[dreg:$0x0] =	wrdreg $0x0  }
0xa8: {  	s5 =	sshll.u32 s28, $0x1;
	[dreg:$0x2] =	wrdreg s3  }
0xa9: {  	[dreg:$0x3] =	wrdreg s5  }
0xaa: {  	[dreg:$0x4] =	wrdreg $0xC0  }
0xab: {  	_ =	task [dreg:s7], $0x5FFFF  }
0xac: {  	[dreg:$0x1] =	wrdreg $0xFFFFFFFF  }
0xad: {  	[dreg:$0x0] =	wrdreg $0x60  }
0xae: {  	[dreg:$0x2] =	wrdreg s24  }
0xaf: {  	[dreg:$0x3] =	wrdreg s2  }
0xb0: {  	[dreg:$0x4] =	wrdreg $0x9  }
0xb1: {  	_ =	task.clear_ibuf [dreg:s7], $0x5FFFF;
	_ =	strace $0x90000046  }
0xb2: {  	s29 =	simm.s32 $0x9;
	_ =	strace $0x80000048  }
0xb3: {  	_ =	swait.ge [sflag:s29], $0x1  }
0xb4: {  	[sflag:s29] =	ssyncadd.s32 $0xFFFFFFFF  }
0xb5: {  	_ =	strace $0x90000048  }
0xb6: {  	_ =	sfence  }
0xb7: {  	s30 =	sld [smem:$0x0];
	_ =	sdelay $0x2  }
0xb8: {  	s31 =	sshll.u32 s1, $0xD;
	s1 =	sshrl.u32 s1, $0x2  }
0xb9: {  	s3 =	sand.u32 $0x4000, s31;
	s1 =	sadd.s32 s1, s30  }
0xba: {  	s0 =	sor.u32 s3, s0;
	s1 =	sshll.u32 s1, $0x11  }
0xbb: {  	s0 =	sor.u32 s1, s0  }
0xbc: {  	s0 =	sadd.s32 $0x8F2B, s0  }
0xbd: {  	[sflag:s0] =	ssyncadd.remote.s32 $0x1  }
0xbe: {  	_ =	sfence.sel $0xFFFF  }
0xbf: {  	[dreg:$0x0] =	wrdreg $0xFFFFFFFF;
	(pc) =	sbr.abs _section_cstart, $3  }
0xc0: {  	[dreg:$0x1] =	wrdreg $0xFFFFFFFF  }
0xc1: {  	_ =	task.clear_ibuf [dreg:s7], $0x2FFFF;
	_ =	strace $0x9FFFFFFF  }
0xc2: {  	(tm) =	ssettm $0x7FFFFFFF  }
0xc3: {  	_ =	shalt  }
tec
execute0_lowered:
.L_overlay_start_1:
0x0: {  	(tag) =	ssettag $0x1  }
0x1: {  	s7 =	rddreg [dreg:$0x0]  }
0x2: {  	s3 =	rddreg [dreg:$0x1]  }
0x3: {  	s4 =	srdreg.scid;
	s1 =	stileid.u32  }
0x4: {  	s2 =	simm.s32 $0x0;
	s8 =	sand.u32 $0x1, s4;
	s30 =	sshll.u32 s1, $0x1  }
0x5: {  	[smem:$0x7FF] =	sst s2;
	s4 =	sor.u32 s8, s30  }
0x6: {  	s0 =	rddreg [dreg:$0x2];
	_ =	strace $0x80000047;
	s5 =	sshll.u32 s4, $0x5  }
0x7: {  	s6 =	smul.u32 $0xA00, s4;
	s4 =	simm.s32 $0x2;
	s3 =	sadd.s32 s3, s5  }
0x8: {  	[tilespmem:s2], [sflag:$0x2] =	stream.linear.gather [hbm4b:s3+s2], $0x100, $0x38;
	[tilespmem:$0x5100] =	vst v63  }
0x9: {  	_ =	swait.ge [sflag:s4], $0x100  }
0xa: {  	s10 =	ssub.s32 $0x2, s8;
	s31 =	sadd.s32 s6, s7;
	[sflag:s4] =	ssyncset.done $0x0  }
0xb: {  	s6 =	simm.s32 $0x100;
	s5 =	sadd.s32 $0x400, s31;
	[sflag:s4] =	ssyncadd.s32 $0xFFFFFF00  }
0xc: {  	[tilespmem:s6], [sflag:$0x2] =	stream.linear.gather [hbm4b:s5+s2], $0x5000, $0x38;
	[tilespmem:$0x5100] =	vst v63  }
0xd: {  	s9 =	simm.s32 $0x50;
	s11 =	sshrl.u32 s10, $0x1;
	_ =	swait.ge [sflag:s4], $0x5000  }
0xe: {  	s8 =	simm.s32 $0x1;
	s10 =	ssub.s32 s10, s11;
	[sflag:s4] =	ssyncset.done $0x0  }
0xf: {  	s7 =	sadd.s32 $0x14400, s7;
	s12 =	smax.u32 s10, $0x1;
	[sflag:s4] =	ssyncadd.s32 $0xFFFFB000  }
0x10: {  	[hbm4b:s7+s9] =	stream.indirect.scatter [tilespmem:s6], [sflag:$0x1], $0x80, s2, s9, $0xb8;
	[tilespmem:$0x5100] =	vst v63  }
0x11: {  	p0 =	sne.s32 s12, $0x1;
	_ =	swait.ge [sflag:s8], $0x2800  }
.Ltmp0:
0x12: {  	[sflag:s8] =	ssyncset.done $0x0;
	(pc) =	sbr.rel @!p0 .LBB2_2-.Ltmp0, $4  }
0x13: {  	s11 =	simm.s32 $0x2900;
	s10 =	simm.s32 $0x80;
	[sflag:s8] =	ssyncadd.s32 $0xFFFFD800  }
0x14: {  	[hbm4b:s7+s9] =	stream.indirect.scatter [tilespmem:s11], [sflag:$0x1], $0x80, s10, s9, $0xb8;
	[tilespmem:$0x5100] =	vst v63  }
0x15: {  	_ =	swait.ge [sflag:s8], $0x2800  }
0x16: {  	s12 =	sadd.s32 $0xFFFFFFFF, s12;
	[sflag:s8] =	ssyncset.done $0x0  }
.LBB2_1:
0x17: {  	p0 =	sne.s32 s12, $0x1;
	s12 =	sadd.s32 $0xFFFFFFFF, s12;
	[sflag:s8] =	ssyncadd.s32 $0xFFFFD800  }
0x18: {  	[tilespmem:s2], [sflag:$0x2] =	stream.linear.gather [hbm4b:s3+s2], $0x100, $0x38;
	[tilespmem:$0x5100] =	vst v63  }
0x19: {  	_ =	swait.ge [sflag:s4], $0x100  }
0x1a: {  	[sflag:s4] =	ssyncset.done $0x0  }
0x1b: {  	[sflag:s4] =	ssyncadd.s32 $0xFFFFFF00  }
0x1c: {  	[tilespmem:s6], [sflag:$0x2] =	stream.linear.gather [hbm4b:s5+s2], $0x5000, $0x38;
	[tilespmem:$0x5100] =	vst v63  }
0x1d: {  	_ =	swait.ge [sflag:s4], $0x5000  }
0x1e: {  	[sflag:s4] =	ssyncset.done $0x0  }
0x1f: {  	[sflag:s4] =	ssyncadd.s32 $0xFFFFB000  }
0x20: {  	[hbm4b:s7+s9] =	stream.indirect.scatter [tilespmem:s6], [sflag:$0x1], $0x80, s2, s9, $0xb8;
	[tilespmem:$0x5100] =	vst v63  }
0x21: {  	_ =	swait.ge [sflag:s8], $0x2800  }
.Ltmp1:
0x22: {  	[sflag:s8] =	ssyncset.done $0x0;
	(pc) =	sbr.rel @p0 .LBB2_1-.Ltmp1, $4  }
0x23: {  	[sflag:s8] =	ssyncadd.s32 $0xFFFFD800  }
0x24: {  	[hbm4b:s7+s9] =	stream.indirect.scatter [tilespmem:s11], [sflag:$0x1], $0x80, s10, s9, $0xb8;
	[tilespmem:$0x5100] =	vst v63  }
0x25: {  	_ =	swait.ge [sflag:s8], $0x2800  }
0x26: {  	[sflag:s8] =	ssyncset.done $0x0  }
.LBB2_2:
0x27: {  	[sflag:s8] =	ssyncadd.s32 $0xFFFFD800  }
0x28: {  	_ =	sfence.sel $0x180000  }
0x29: {  	[bflag:$0x0] =	sbarrier.arrive $0xFFFF  }
0x2a: {  	p0 =	sne.s32 s1, $0x0;
	_ =	strace $0x90000047  }
0x2b: {  	s0 =	sadd.s32 @!p0 $0x100000, s0;
	[bflag:$0x2] =	sbarrier.arrive $0xFFFF  }
0x2c: {  	[sflag:s0] =	ssyncadd.tile.s32 @!p0 $0x1;
	_ =	shalt  }
.Lfunc_end2:
_tile_overlayer_lowered:
.L_overlay_start_2:
0x2d: {  	(tag) =	ssettag $0x2  }
0x2e: {  	s0 =	rddreg [dreg:$0x0];
	s2 =	stileid.u32  }
0x2f: {  	s1 =	rddreg [dreg:$0x1];
	p0 =	sne.s32 s2, $0x0  }
0x30: {  	s3 =	rddreg [dreg:$0x2];
	[bflag:$0x3] =	sbarrier.arrive $0xFFFF;
	s2 =	simm.s32 @!p0 $0x1C02  }
0x31: {  	[timem:s3], [sflag:s2] =	dma.local @!p0 [hbm:s0], s1  }
0x32: {  	s0 =	simm.s32 @!p0 $0x2  }
0x33: {  	_ =	swait.ge @!p0 [sflag:s0], s1  }
0x34: {  	s1 =	ssub.s32 @!p0 $0x0, s1;
	[sflag:s0] =	ssyncset.done @!p0 $0x0  }
0x35: {  	[sflag:s0] =	ssyncadd.s32 @!p0 s1  }
0x36: {  	[bflag:$0x3] =	sbarrier.arrive $0xFFFF  }
0x37: {  	_ =	shalt  }

</sc_bundles>
